<compile_context>
chip_gen: v7x
topology: tpu7x:2x2x1
jax: 0.10.2.dev20260603
libtpu: 0.0.44.dev20260713+nightly
codegen_flags: <defaults>
</compile_context>

<pallas_src>
import functools

import jax
import jax.numpy as jnp
from jax import lax
from jax.experimental import pallas as pl
from jax.experimental.pallas import tpu as pltpu
from jax.experimental.pallas import tpu_sc as plsc

_R = 16384
_S = 50
_D = 32

_info = plsc.get_sparse_core_info()
_NC, _NS = _info.num_cores, _info.num_subcores
_NW = _NC * _NS
_RPW = _R // _NW
_RCH = 32
_NCHUNK = _RPW // _RCH

_mesh = plsc.VectorSubcoreMesh(core_axis_name="c", subcore_axis_name="s")


@functools.partial(
    pl.kernel,
    mesh=_mesh,
    compiler_params=pltpu.CompilerParams(use_tc_tiling_on_sc=False),
    out_type=jax.ShapeDtypeStruct((_R, _S, _D), jnp.float32),
    scratch_types=[
        pltpu.VMEM((_RCH * _S,), jnp.int32),
        pltpu.VMEM((_RCH * _S, _D), jnp.float32),
        pltpu.SemaphoreType.DMA,
        pltpu.SemaphoreType.DMA,
    ],
)
def _gather_rows(idx_hbm, table_hbm, out_hbm, idx_v, rows_v, gsem, osem):
    wid = lax.axis_index("s") * _NC + lax.axis_index("c")
    base = wid * _RPW

    def body(i, carry):
        r0 = base + i * _RCH
        pltpu.sync_copy(idx_hbm.at[pl.ds(r0 * _S, _RCH * _S)], idx_v)
        pltpu.async_copy(table_hbm.at[idx_v], rows_v, gsem).wait()
        cps = [
            pltpu.async_copy(rows_v.at[pl.ds(j * _S, _S)],
                             out_hbm.at[r0 + j], osem)
            for j in range(_RCH)
        ]
        for cp in cps:
            cp.wait()
        return carry

    lax.fori_loop(0, _NCHUNK, body, 0)


def kernel(band_id, table):
    idx = band_id.reshape(-1).astype(jnp.int32)
    return _gather_rows(idx, table)

# --- scband reference (transcript-rebuilt; emitter-appended) ---
"""Pipeline reference for scband-band-embedding-37022618091945 (READ-ONLY COPY).

The authoritative reference and input builder live on the scoring server;
editing this copy changes nothing except your own understanding.
"""

import jax, jax.numpy as jnp
import numpy as np

NUM_BANDS = 100000
DIM = 32

def setup_inputs(seed: int = 0) -> dict:
    key = jax.random.key(seed)
    k1, k2 = jax.random.split(key)
    band_id = jax.random.randint(k1, (16384, 50), 0, NUM_BANDS, dtype=jnp.int64 if jax.config.jax_enable_x64 else jnp.int32)
    # embedding table, init like nn.Embedding (normal(0,1))
    table = jax.random.normal(k2, (NUM_BANDS, DIM), dtype=jnp.float32)
    return {"band_id": band_id, "table": table}

def reference(band_id, table):
    # BandEmbedding.forward: promote 0-d to 1-d, cast to int, gather rows
    if band_id.ndim == 0:
        band_id = band_id[None]
    band_id = band_id.astype(jnp.int32)
    return jnp.take(table, band_id, axis=0)

if __name__ == "__main__":
    import jax
    _d = setup_inputs()
    print(jax.jit(kernel)(*tuple(_d.values())))

</pallas_src>

<mosaic_0001>
#map = affine_map<(d0, d1) -> (0)>
#map1 = affine_map<(d0, d1) -> (0, 0)>
#map2 = affine_map<(d0, d1) -> (0, 0, 0)>
module attributes {stable_mosaic.version = 14 : i64} {
  func.func @_gather_rows(%arg0: i32, %arg1: i32, %arg2: memref<819200xi32, #tpu.memory_space<hbm>>, %arg3: memref<100000x32xf32, #tpu.memory_space<hbm>>, %arg4: memref<16384x50x32xf32, #tpu.memory_space<hbm>>, %arg5: memref<1600xi32, #tpu.memory_space<vmem>>, %arg6: memref<1600x32xf32, #tpu.memory_space<vmem>>, %arg7: memref<!tpu.dma_semaphore, #tpu.memory_space<semaphore_mem>>, %arg8: memref<!tpu.dma_semaphore, #tpu.memory_space<semaphore_mem>>) attributes {dimension_semantics = [#tpu.dimension_semantics<core_parallel>, #tpu.dimension_semantics<subcore_parallel>], iteration_bounds = array<i64: 2, 16>, scalar_prefetch = 0 : i64, scratch_operands = 4 : i64, tpu.core_type = #tpu.core_type<sc_vector_subcore>, window_params = [{transform_indices = #map}, {transform_indices = #map1}, {transform_indices = #map2}]} {
    %mul3A = arith.constant 2 : i32
    %mul3A_0 = arith.muli %arg1, %mul3A : i32
    %add3A = arith.addi %mul3A_0, %arg0 : i32
    %mul3A_1 = arith.constant 512 : i32
    %mul3A_2 = arith.muli %add3A, %mul3A_1 : i32
    %scan3A = arith.constant 0 : i32
    %scan3A_3 = arith.constant 0 : i32
    %scan3A_4 = arith.constant 16 : i32
    %scan3A_5 = arith.addi %scan3A_3, %scan3A_4 : i32
    %scan3A_6 = arith.constant 1 : i32
    scf.for %scan3A_8 = %scan3A_3 to %scan3A_5 step %scan3A_6  : i32 {
      %mul3A_9 = arith.constant 32 : i32
      %mul3A_10 = arith.muli %scan3A_8, %mul3A_9 : i32
      %add3A_11 = arith.addi %mul3A_2, %mul3A_10 : i32
      %mul3A_12 = arith.constant 50 : i32
      %mul3A_13 = arith.muli %add3A_11, %mul3A_12 : i32
      "tpu.region"() ({
        %run_scoped3A = tpu.sem_alloc : memref<!tpu.dma_semaphore, #tpu.memory_space<semaphore_mem>>
        %dma_start3A_978 = tpu.memref_slice %arg2[%mul3A_13] : memref<819200xi32, #tpu.memory_space<hbm>> -> memref<1600xi32, #tpu.memory_space<hbm>>
        %dma_start3A_979 = tpu.memref_slice %arg2[%mul3A_13] : memref<819200xi32, #tpu.memory_space<hbm>> -> memref<1600xi32, #tpu.memory_space<hbm>>
        tpu.enqueue_dma source(%dma_start3A_979 : memref<1600xi32, #tpu.memory_space<hbm>>) target(%arg5 : memref<1600xi32, #tpu.memory_space<vmem>>) target_semaphore(%run_scoped3A : memref<!tpu.dma_semaphore, #tpu.memory_space<semaphore_mem>>)
        %dma_wait3A_980 = tpu.memref_slice %arg2[%mul3A_13] : memref<819200xi32, #tpu.memory_space<hbm>> -> memref<1600xi32, #tpu.memory_space<hbm>>
        %dma_wait3A_981 = tpu.memref_slice %arg2[%mul3A_13] : memref<819200xi32, #tpu.memory_space<hbm>> -> memref<1600xi32, #tpu.memory_space<hbm>>
        tpu.wait_dma2 semaphore(%run_scoped3A : memref<!tpu.dma_semaphore, #tpu.memory_space<semaphore_mem>>) src(%dma_wait3A_981 : memref<1600xi32, #tpu.memory_space<hbm>>) dst(%arg5 : memref<1600xi32, #tpu.memory_space<vmem>>)
        tpu.yield
      }) : () -> ()
      %dma_start3A = arith.constant 0 : i32
      %dma_start3A_14 = arith.constant 0 : i32
      %dma_start3A_15 = tpu.memref_slice %arg3[%dma_start3A, %dma_start3A_14] : memref<100000x32xf32, #tpu.memory_space<hbm>> -> memref<100000x32xf32, #tpu.memory_space<hbm>>
      tpu.enqueue_indirect_dma source(%dma_start3A_15 : memref<100000x32xf32, #tpu.memory_space<hbm>>) target(%arg6 : memref<1600x32xf32, #tpu.memory_space<vmem>>) offsets(%arg5 : memref<1600xi32, #tpu.memory_space<vmem>>) semaphore(%arg7 : memref<!tpu.dma_semaphore, #tpu.memory_space<semaphore_mem>>)
      %dma_wait3A = arith.constant 0 : i32
      %dma_wait3A_16 = arith.constant 0 : i32
      %dma_wait3A_17 = tpu.memref_slice %arg3[%dma_wait3A, %dma_wait3A_16] : memref<100000x32xf32, #tpu.memory_space<hbm>> -> memref<100000x32xf32, #tpu.memory_space<hbm>>
      tpu.wait_indirect_dma semaphore(%arg7 : memref<!tpu.dma_semaphore, #tpu.memory_space<semaphore_mem>>) src(%dma_wait3A_17 : memref<100000x32xf32, #tpu.memory_space<hbm>>) dst(%arg6 : memref<1600x32xf32, #tpu.memory_space<vmem>>)
      %add3A_18 = arith.constant 0 : i32
      %add3A_19 = arith.addi %add3A_11, %add3A_18 : i32
      %dma_start3A_20 = arith.constant 0 : i32
      %dma_start3A_21 = arith.constant 0 : i32
      %dma_start3A_22 = tpu.memref_slice %arg6[%dma_start3A_20, %dma_start3A_21] : memref<1600x32xf32, #tpu.memory_space<vmem>> -> memref<50x32xf32, #tpu.memory_space<vmem>>
      %dma_start3A_23 = arith.constant 0 : i32
      %dma_start3A_24 = arith.constant 0 : i32
      %dma_start3A_25 = tpu.memref_slice %arg4[%add3A_19, %dma_start3A_23, %dma_start3A_24] : memref<16384x50x32xf32, #tpu.memory_space<hbm>> -> memref<1x50x32xf32, #tpu.memory_space<hbm>>
      %dma_start3A_26 = tpu.memref_squeeze %dma_start3A_25 : memref<1x50x32xf32, #tpu.memory_space<hbm>> -> memref<50x32xf32, #tpu.memory_space<hbm>>
      %dma_start3A_27 = arith.constant 0 : i32
      %dma_start3A_28 = arith.constant 0 : i32
      %dma_start3A_29 = tpu.memref_slice %arg4[%add3A_19, %dma_start3A_27, %dma_start3A_28] : memref<16384x50x32xf32, #tpu.memory_space<hbm>> -> memref<1x50x32xf32, #tpu.memory_space<hbm>>
      %dma_start3A_30 = tpu.memref_squeeze %dma_start3A_29 : memref<1x50x32xf32, #tpu.memory_space<hbm>> -> memref<50x32xf32, #tpu.memory_space<hbm>>
      %dma_start3A_31 = arith.constant 0 : i32
      %dma_start3A_32 = arith.constant 0 : i32
      %dma_start3A_33 = tpu.memref_slice %arg6[%dma_start3A_31, %dma_start3A_32] : memref<1600x32xf32, #tpu.memory_space<vmem>> -> memref<50x32xf32, #tpu.memory_space<vmem>>
      tpu.enqueue_dma source(%dma_start3A_33 : memref<50x32xf32, #tpu.memory_space<vmem>>) target(%dma_start3A_30 : memref<50x32xf32, #tpu.memory_space<hbm>>) target_semaphore(%arg8 : memref<!tpu.dma_semaphore, #tpu.memory_space<semaphore_mem>>)
      %add3A_34 = arith.constant 1 : i32
      %add3A_35 = arith.addi %add3A_11, %add3A_34 : i32
      %dma_start3A_36 = arith.constant 50 : i32
      %dma_start3A_37 = arith.constant 0 : i32
      %dma_start3A_38 = tpu.memref_slice %arg6[%dma_start3A_36, %dma_start3A_37] : memref<1600x32xf32, #tpu.memory_space<vmem>> -> memref<50x32xf32, #tpu.memory_space<vmem>>
      %dma_start3A_39 = arith.constant 0 : i32
      %dma_start3A_40 = arith.constant 0 : i32
      %dma_start3A_41 = tpu.memref_slice %arg4[%add3A_35, %dma_start3A_39, %dma_start3A_40] : memref<16384x50x32xf32, #tpu.memory_space<hbm>> -> memref<1x50x32xf32, #tpu.memory_space<hbm>>
      %dma_start3A_42 = tpu.memref_squeeze %dma_start3A_41 : memref<1x50x32xf32, #tpu.memory_space<hbm>> -> memref<50x32xf32, #tpu.memory_space<hbm>>
      %dma_start3A_43 = arith.constant 0 : i32
      %dma_start3A_44 = arith.constant 0 : i32
      %dma_start3A_45 = tpu.memref_slice %arg4[%add3A_35, %dma_start3A_43, %dma_start3A_44] : memref<16384x50x32xf32, #tpu.memory_space<hbm>> -> memref<1x50x32xf32, #tpu.memory_space<hbm>>
      %dma_start3A_46 = tpu.memref_squeeze %dma_start3A_45 : memref<1x50x32xf32, #tpu.memory_space<hbm>> -> memref<50x32xf32, #tpu.memory_space<hbm>>
      %dma_start3A_47 = arith.constant 50 : i32
      %dma_start3A_48 = arith.constant 0 : i32
      %dma_start3A_49 = tpu.memref_slice %arg6[%dma_start3A_47, %dma_start3A_48] : memref<1600x32xf32, #tpu.memory_space<vmem>> -> memref<50x32xf32, #tpu.memory_space<vmem>>
      tpu.enqueue_dma source(%dma_start3A_49 : memref<50x32xf32, #tpu.memory_space<vmem>>) target(%dma_start3A_46 : memref<50x32xf32, #tpu.memory_space<hbm>>) target_semaphore(%arg8 : memref<!tpu.dma_semaphore, #tpu.memory_space<semaphore_mem>>)
      %add3A_50 = arith.constant 2 : i32
      %add3A_51 = arith.addi %add3A_11, %add3A_50 : i32
      %dma_start3A_52 = arith.constant 100 : i32
      %dma_start3A_53 = arith.constant 0 : i32
      %dma_start3A_54 = tpu.memref_slice %arg6[%dma_start3A_52, %dma_start3A_53] : memref<1600x32xf32, #tpu.memory_space<vmem>> -> memref<50x32xf32, #tpu.memory_space<vmem>>
      %dma_start3A_55 = arith.constant 0 : i32
      %dma_start3A_56 = arith.constant 0 : i32
      %dma_start3A_57 = tpu.memref_slice %arg4[%add3A_51, %dma_start3A_55, %dma_start3A_56] : memref<16384x50x32xf32, #tpu.memory_space<hbm>> -> memref<1x50x32xf32, #tpu.memory_space<hbm>>
      %dma_start3A_58 = tpu.memref_squeeze %dma_start3A_57 : memref<1x50x32xf32, #tpu.memory_space<hbm>> -> memref<50x32xf32, #tpu.memory_space<hbm>>
      %dma_start3A_59 = arith.constant 0 : i32
      %dma_start3A_60 = arith.constant 0 : i32
      %dma_start3A_61 = tpu.memref_slice %arg4[%add3A_51, %dma_start3A_59, %dma_start3A_60] : memref<16384x50x32xf32, #tpu.memory_space<hbm>> -> memref<1x50x32xf32, #tpu.memory_space<hbm>>
      %dma_start3A_62 = tpu.memref_squeeze %dma_start3A_61 : memref<1x50x32xf32, #tpu.memory_space<hbm>> -> memref<50x32xf32, #tpu.memory_space<hbm>>
      %dma_start3A_63 = arith.constant 100 : i32
      %dma_start3A_64 = arith.constant 0 : i32
      %dma_start3A_65 = tpu.memref_slice %arg6[%dma_start3A_63, %dma_start3A_64] : memref<1600x32xf32, #tpu.memory_space<vmem>> -> memref<50x32xf32, #tpu.memory_space<vmem>>
      tpu.enqueue_dma source(%dma_start3A_65 : memref<50x32xf32, #tpu.memory_space<vmem>>) target(%dma_start3A_62 : memref<50x32xf32, #tpu.memory_space<hbm>>) target_semaphore(%arg8 : memref<!tpu.dma_semaphore, #tpu.memory_space<semaphore_mem>>)
      %add3A_66 = arith.constant 3 : i32
      %add3A_67 = arith.addi %add3A_11, %add3A_66 : i32
      %dma_start3A_68 = arith.constant 150 : i32
      %dma_start3A_69 = arith.constant 0 : i32
      %dma_start3A_70 = tpu.memref_slice %arg6[%dma_start3A_68, %dma_start3A_69] : memref<1600x32xf32, #tpu.memory_space<vmem>> -> memref<50x32xf32, #tpu.memory_space<vmem>>
      %dma_start3A_71 = arith.constant 0 : i32
      %dma_start3A_72 = arith.constant 0 : i32
      %dma_start3A_73 = tpu.memref_slice %arg4[%add3A_67, %dma_start3A_71, %dma_start3A_72] : memref<16384x50x32xf32, #tpu.memory_space<hbm>> -> memref<1x50x32xf32, #tpu.memory_space<hbm>>
      %dma_start3A_74 = tpu.memref_squeeze %dma_start3A_73 : memref<1x50x32xf32, #tpu.memory_space<hbm>> -> memref<50x32xf32, #tpu.memory_space<hbm>>
      %dma_start3A_75 = arith.constant 0 : i32
      %dma_start3A_76 = arith.constant 0 : i32
      %dma_start3A_77 = tpu.memref_slice %arg4[%add3A_67, %dma_start3A_75, %dma_start3A_76] : memref<16384x50x32xf32, #tpu.memory_space<hbm>> -> memref<1x50x32xf32, #tpu.memory_space<hbm>>
      %dma_start3A_78 = tpu.memref_squeeze %dma_start3A_77 : memref<1x50x32xf32, #tpu.memory_space<hbm>> -> memref<50x32xf32, #tpu.memory_space<hbm>>
      %dma_start3A_79 = arith.constant 150 : i32
      %dma_start3A_80 = arith.constant 0 : i32
      %dma_start3A_81 = tpu.memref_slice %arg6[%dma_start3A_79, %dma_start3A_80] : memref<1600x32xf32, #tpu.memory_space<vmem>> -> memref<50x32xf32, #tpu.memory_space<vmem>>
      tpu.enqueue_dma source(%dma_start3A_81 : memref<50x32xf32, #tpu.memory_space<vmem>>) target(%dma_start3A_78 : memref<50x32xf32, #tpu.memory_space<hbm>>) target_semaphore(%arg8 : memref<!tpu.dma_semaphore, #tpu.memory_space<semaphore_mem>>)
      %add3A_82 = arith.constant 4 : i32
      %add3A_83 = arith.addi %add3A_11, %add3A_82 : i32
      %dma_start3A_84 = arith.constant 200 : i32
      %dma_start3A_85 = arith.constant 0 : i32
      %dma_start3A_86 = tpu.memref_slice %arg6[%dma_start3A_84, %dma_start3A_85] : memref<1600x32xf32, #tpu.memory_space<vmem>> -> memref<50x32xf32, #tpu.memory_space<vmem>>
      %dma_start3A_87 = arith.constant 0 : i32
      %dma_start3A_88 = arith.constant 0 : i32
      %dma_start3A_89 = tpu.memref_slice %arg4[%add3A_83, %dma_start3A_87, %dma_start3A_88] : memref<16384x50x32xf32, #tpu.memory_space<hbm>> -> memref<1x50x32xf32, #tpu.memory_space<hbm>>
      %dma_start3A_90 = tpu.memref_squeeze %dma_start3A_89 : memref<1x50x32xf32, #tpu.memory_space<hbm>> -> memref<50x32xf32, #tpu.memory_space<hbm>>
      %dma_start3A_91 = arith.constant 0 : i32
      %dma_start3A_92 = arith.constant 0 : i32
      %dma_start3A_93 = tpu.memref_slice %arg4[%add3A_83, %dma_start3A_91, %dma_start3A_92] : memref<16384x50x32xf32, #tpu.memory_space<hbm>> -> memref<1x50x32xf32, #tpu.memory_space<hbm>>
      %dma_start3A_94 = tpu.memref_squeeze %dma_start3A_93 : memref<1x50x32xf32, #tpu.memory_space<hbm>> -> memref<50x32xf32, #tpu.memory_space<hbm>>
      %dma_start3A_95 = arith.constant 200 : i32
      %dma_start3A_96 = arith.constant 0 : i32
      %dma_start3A_97 = tpu.memref_slice %arg6[%dma_start3A_95, %dma_start3A_96] : memref<1600x32xf32, #tpu.memory_space<vmem>> -> memref<50x32xf32, #tpu.memory_space<vmem>>
      tpu.enqueue_dma source(%dma_start3A_97 : memref<50x32xf32, #tpu.memory_space<vmem>>) target(%dma_start3A_94 : memref<50x32xf32, #tpu.memory_space<hbm>>) target_semaphore(%arg8 : memref<!tpu.dma_semaphore, #tpu.memory_space<semaphore_mem>>)
      %add3A_98 = arith.constant 5 : i32
      %add3A_99 = arith.addi %add3A_11, %add3A_98 : i32
      %dma_start3A_100 = arith.constant 250 : i32
      %dma_start3A_101 = arith.constant 0 : i32
      %dma_start3A_102 = tpu.memref_slice %arg6[%dma_start3A_100, %dma_start3A_101] : memref<1600x32xf32, #tpu.memory_space<vmem>> -> memref<50x32xf32, #tpu.memory_space<vmem>>
      %dma_start3A_103 = arith.constant 0 : i32
      %dma_start3A_104 = arith.constant 0 : i32
      %dma_start3A_105 = tpu.memref_slice %arg4[%add3A_99, %dma_start3A_103, %dma_start3A_104] : memref<16384x50x32xf32, #tpu.memory_space<hbm>> -> memref<1x50x32xf32, #tpu.memory_space<hbm>>
      %dma_start3A_106 = tpu.memref_squeeze %dma_start3A_105 : memref<1x50x32xf32, #tpu.memory_space<hbm>> -> memref<50x32xf32, #tpu.memory_space<hbm>>
      %dma_start3A_107 = arith.constant 0 : i32
      %dma_start3A_108 = arith.constant 0 : i32
      %dma_start3A_109 = tpu.memref_slice %arg4[%add3A_99, %dma_start3A_107, %dma_start3A_108] : memref<16384x50x32xf32, #tpu.memory_space<hbm>> -> memref<1x50x32xf32, #tpu.memory_space<hbm>>
      %dma_start3A_110 = tpu.memref_squeeze %dma_start3A_109 : memref<1x50x32xf32, #tpu.memory_space<hbm>> -> memref<50x32xf32, #tpu.memory_space<hbm>>
      %dma_start3A_111 = arith.constant 250 : i32
      %dma_start3A_112 = arith.constant 0 : i32
      %dma_start3A_113 = tpu.memref_slice %arg6[%dma_start3A_111, %dma_start3A_112] : memref<1600x32xf32, #tpu.memory_space<vmem>> -> memref<50x32xf32, #tpu.memory_space<vmem>>
      tpu.enqueue_dma source(%dma_start3A_113 : memref<50x32xf32, #tpu.memory_space<vmem>>) target(%dma_start3A_110 : memref<50x32xf32, #tpu.memory_space<hbm>>) target_semaphore(%arg8 : memref<!tpu.dma_semaphore, #tpu.memory_space<semaphore_mem>>)
      %add3A_114 = arith.constant 6 : i32
      %add3A_115 = arith.addi %add3A_11, %add3A_114 : i32
      %dma_start3A_116 = arith.constant 300 : i32
      %dma_start3A_117 = arith.constant 0 : i32
      %dma_start3A_118 = tpu.memref_slice %arg6[%dma_start3A_116, %dma_start3A_117] : memref<1600x32xf32, #tpu.memory_space<vmem>> -> memref<50x32xf32, #tpu.memory_space<vmem>>
      %dma_start3A_119 = arith.constant 0 : i32
      %dma_start3A_120 = arith.constant 0 : i32
      %dma_start3A_121 = tpu.memref_slice %arg4[%add3A_115, %dma_start3A_119, %dma_start3A_120] : memref<16384x50x32xf32, #tpu.memory_space<hbm>> -> memref<1x50x32xf32, #tpu.memory_space<hbm>>
      %dma_start3A_122 = tpu.memref_squeeze %dma_start3A_121 : memref<1x50x32xf32, #tpu.memory_space<hbm>> -> memref<50x32xf32, #tpu.memory_space<hbm>>
      %dma_start3A_123 = arith.constant 0 : i32
      %dma_start3A_124 = arith.constant 0 : i32
      %dma_start3A_125 = tpu.memref_slice %arg4[%add3A_115, %dma_start3A_123, %dma_start3A_124] : memref<16384x50x32xf32, #tpu.memory_space<hbm>> -> memref<1x50x32xf32, #tpu.memory_space<hbm>>
      %dma_start3A_126 = tpu.memref_squeeze %dma_start3A_125 : memref<1x50x32xf32, #tpu.memory_space<hbm>> -> memref<50x32xf32, #tpu.memory_space<hbm>>
      %dma_start3A_127 = arith.constant 300 : i32
      %dma_start3A_128 = arith.constant 0 : i32
      %dma_start3A_129 = tpu.memref_slice %arg6[%dma_start3A_127, %dma_start3A_128] : memref<1600x32xf32, #tpu.memory_space<vmem>> -> memref<50x32xf32, #tpu.memory_space<vmem>>
      tpu.enqueue_dma source(%dma_start3A_129 : memref<50x32xf32, #tpu.memory_space<vmem>>) target(%dma_start3A_126 : memref<50x32xf32, #tpu.memory_space<hbm>>) target_semaphore(%arg8 : memref<!tpu.dma_semaphore, #tpu.memory_space<semaphore_mem>>)
      %add3A_130 = arith.constant 7 : i32
      %add3A_131 = arith.addi %add3A_11, %add3A_130 : i32
      %dma_start3A_132 = arith.constant 350 : i32
      %dma_start3A_133 = arith.constant 0 : i32
      %dma_start3A_134 = tpu.memref_slice %arg6[%dma_start3A_132, %dma_start3A_133] : memref<1600x32xf32, #tpu.memory_space<vmem>> -> memref<50x32xf32, #tpu.memory_space<vmem>>
      %dma_start3A_135 = arith.constant 0 : i32
      %dma_start3A_136 = arith.constant 0 : i32
      %dma_start3A_137 = tpu.memref_slice %arg4[%add3A_131, %dma_start3A_135, %dma_start3A_136] : memref<16384x50x32xf32, #tpu.memory_space<hbm>> -> memref<1x50x32xf32, #tpu.memory_space<hbm>>
      %dma_start3A_138 = tpu.memref_squeeze %dma_start3A_137 : memref<1x50x32xf32, #tpu.memory_space<hbm>> -> memref<50x32xf32, #tpu.memory_space<hbm>>
      %dma_start3A_139 = arith.constant 0 : i32
      %dma_start3A_140 = arith.constant 0 : i32
      %dma_start3A_141 = tpu.memref_slice %arg4[%add3A_131, %dma_start3A_139, %dma_start3A_140] : memref<16384x50x32xf32, #tpu.memory_space<hbm>> -> memref<1x50x32xf32, #tpu.memory_space<hbm>>
      %dma_start3A_142 = tpu.memref_squeeze %dma_start3A_141 : memref<1x50x32xf32, #tpu.memory_space<hbm>> -> memref<50x32xf32, #tpu.memory_space<hbm>>
      %dma_start3A_143 = arith.constant 350 : i32
      %dma_start3A_144 = arith.constant 0 : i32
      %dma_start3A_145 = tpu.memref_slice %arg6[%dma_start3A_143, %dma_start3A_144] : memref<1600x32xf32, #tpu.memory_space<vmem>> -> memref<50x32xf32, #tpu.memory_space<vmem>>
      tpu.enqueue_dma source(%dma_start3A_145 : memref<50x32xf32, #tpu.memory_space<vmem>>) target(%dma_start3A_142 : memref<50x32xf32, #tpu.memory_space<hbm>>) target_semaphore(%arg8 : memref<!tpu.dma_semaphore, #tpu.memory_space<semaphore_mem>>)
      %add3A_146 = arith.constant 8 : i32
      %add3A_147 = arith.addi %add3A_11, %add3A_146 : i32
      %dma_start3A_148 = arith.constant 400 : i32
      %dma_start3A_149 = arith.constant 0 : i32
      %dma_start3A_150 = tpu.memref_slice %arg6[%dma_start3A_148, %dma_start3A_149] : memref<1600x32xf32, #tpu.memory_space<vmem>> -> memref<50x32xf32, #tpu.memory_space<vmem>>
      %dma_start3A_151 = arith.constant 0 : i32
      %dma_start3A_152 = arith.constant 0 : i32
      %dma_start3A_153 = tpu.memref_slice %arg4[%add3A_147, %dma_start3A_151, %dma_start3A_152] : memref<16384x50x32xf32, #tpu.memory_space<hbm>> -> memref<1x50x32xf32, #tpu.memory_space<hbm>>
      %dma_start3A_154 = tpu.memref_squeeze %dma_start3A_153 : memref<1x50x32xf32, #tpu.memory_space<hbm>> -> memref<50x32xf32, #tpu.memory_space<hbm>>
      %dma_start3A_155 = arith.constant 0 : i32
      %dma_start3A_156 = arith.constant 0 : i32
      %dma_start3A_157 = tpu.memref_slice %arg4[%add3A_147, %dma_start3A_155, %dma_start3A_156] : memref<16384x50x32xf32, #tpu.memory_space<hbm>> -> memref<1x50x32xf32, #tpu.memory_space<hbm>>
      %dma_start3A_158 = tpu.memref_squeeze %dma_start3A_157 : memref<1x50x32xf32, #tpu.memory_space<hbm>> -> memref<50x32xf32, #tpu.memory_space<hbm>>
      %dma_start3A_159 = arith.constant 400 : i32
      %dma_start3A_160 = arith.constant 0 : i32
      %dma_start3A_161 = tpu.memref_slice %arg6[%dma_start3A_159, %dma_start3A_160] : memref<1600x32xf32, #tpu.memory_space<vmem>> -> memref<50x32xf32, #tpu.memory_space<vmem>>
      tpu.enqueue_dma source(%dma_start3A_161 : memref<50x32xf32, #tpu.memory_space<vmem>>) target(%dma_start3A_158 : memref<50x32xf32, #tpu.memory_space<hbm>>) target_semaphore(%arg8 : memref<!tpu.dma_semaphore, #tpu.memory_space<semaphore_mem>>)
      %add3A_162 = arith.constant 9 : i32
      %add3A_163 = arith.addi %add3A_11, %add3A_162 : i32
      %dma_start3A_164 = arith.constant 450 : i32
      %dma_start3A_165 = arith.constant 0 : i32
      %dma_start3A_166 = tpu.memref_slice %arg6[%dma_start3A_164, %dma_start3A_165] : memref<1600x32xf32, #tpu.memory_space<vmem>> -> memref<50x32xf32, #tpu.memory_space<vmem>>
      %dma_start3A_167 = arith.constant 0 : i32
      %dma_start3A_168 = arith.constant 0 : i32
      %dma_start3A_169 = tpu.memref_slice %arg4[%add3A_163, %dma_start3A_167, %dma_start3A_168] : memref<16384x50x32xf32, #tpu.memory_space<hbm>> -> memref<1x50x32xf32, #tpu.memory_space<hbm>>
      %dma_start3A_170 = tpu.memref_squeeze %dma_start3A_169 : memref<1x50x32xf32, #tpu.memory_space<hbm>> -> memref<50x32xf32, #tpu.memory_space<hbm>>
      %dma_start3A_171 = arith.constant 0 : i32
      %dma_start3A_172 = arith.constant 0 : i32
      %dma_start3A_173 = tpu.memref_slice %arg4[%add3A_163, %dma_start3A_171, %dma_start3A_172] : memref<16384x50x32xf32, #tpu.memory_space<hbm>> -> memref<1x50x32xf32, #tpu.memory_space<hbm>>
      %dma_start3A_174 = tpu.memref_squeeze %dma_start3A_173 : memref<1x50x32xf32, #tpu.memory_space<hbm>> -> memref<50x32xf32, #tpu.memory_space<hbm>>
      %dma_start3A_175 = arith.constant 450 : i32
      %dma_start3A_176 = arith.constant 0 : i32
      %dma_start3A_177 = tpu.memref_slice %arg6[%dma_start3A_175, %dma_start3A_176] : memref<1600x32xf32, #tpu.memory_space<vmem>> -> memref<50x32xf32, #tpu.memory_space<vmem>>
      tpu.enqueue_dma source(%dma_start3A_177 : memref<50x32xf32, #tpu.memory_space<vmem>>) target(%dma_start3A_174 : memref<50x32xf32, #tpu.memory_space<hbm>>) target_semaphore(%arg8 : memref<!tpu.dma_semaphore, #tpu.memory_space<semaphore_mem>>)
      %add3A_178 = arith.constant 10 : i32
      %add3A_179 = arith.addi %add3A_11, %add3A_178 : i32
      %dma_start3A_180 = arith.constant 500 : i32
      %dma_start3A_181 = arith.constant 0 : i32
      %dma_start3A_182 = tpu.memref_slice %arg6[%dma_start3A_180, %dma_start3A_181] : memref<1600x32xf32, #tpu.memory_space<vmem>> -> memref<50x32xf32, #tpu.memory_space<vmem>>
      %dma_start3A_183 = arith.constant 0 : i32
      %dma_start3A_184 = arith.constant 0 : i32
      %dma_start3A_185 = tpu.memref_slice %arg4[%add3A_179, %dma_start3A_183, %dma_start3A_184] : memref<16384x50x32xf32, #tpu.memory_space<hbm>> -> memref<1x50x32xf32, #tpu.memory_space<hbm>>
      %dma_start3A_186 = tpu.memref_squeeze %dma_start3A_185 : memref<1x50x32xf32, #tpu.memory_space<hbm>> -> memref<50x32xf32, #tpu.memory_space<hbm>>
      %dma_start3A_187 = arith.constant 0 : i32
      %dma_start3A_188 = arith.constant 0 : i32
      %dma_start3A_189 = tpu.memref_slice %arg4[%add3A_179, %dma_start3A_187, %dma_start3A_188] : memref<16384x50x32xf32, #tpu.memory_space<hbm>> -> memref<1x50x32xf32, #tpu.memory_space<hbm>>
      %dma_start3A_190 = tpu.memref_squeeze %dma_start3A_189 : memref<1x50x32xf32, #tpu.memory_space<hbm>> -> memref<50x32xf32, #tpu.memory_space<hbm>>
      %dma_start3A_191 = arith.constant 500 : i32
      %dma_start3A_192 = arith.constant 0 : i32
      %dma_start3A_193 = tpu.memref_slice %arg6[%dma_start3A_191, %dma_start3A_192] : memref<1600x32xf32, #tpu.memory_space<vmem>> -> memref<50x32xf32, #tpu.memory_space<vmem>>
      tpu.enqueue_dma source(%dma_start3A_193 : memref<50x32xf32, #tpu.memory_space<vmem>>) target(%dma_start3A_190 : memref<50x32xf32, #tpu.memory_space<hbm>>) target_semaphore(%arg8 : memref<!tpu.dma_semaphore, #tpu.memory_space<semaphore_mem>>)
      %add3A_194 = arith.constant 11 : i32
      %add3A_195 = arith.addi %add3A_11, %add3A_194 : i32
      %dma_start3A_196 = arith.constant 550 : i32
      %dma_start3A_197 = arith.constant 0 : i32
      %dma_start3A_198 = tpu.memref_slice %arg6[%dma_start3A_196, %dma_start3A_197] : memref<1600x32xf32, #tpu.memory_space<vmem>> -> memref<50x32xf32, #tpu.memory_space<vmem>>
      %dma_start3A_199 = arith.constant 0 : i32
      %dma_start3A_200 = arith.constant 0 : i32
      %dma_start3A_201 = tpu.memref_slice %arg4[%add3A_195, %dma_start3A_199, %dma_start3A_200] : memref<16384x50x32xf32, #tpu.memory_space<hbm>> -> memref<1x50x32xf32, #tpu.memory_space<hbm>>
      %dma_start3A_202 = tpu.memref_squeeze %dma_start3A_201 : memref<1x50x32xf32, #tpu.memory_space<hbm>> -> memref<50x32xf32, #tpu.memory_space<hbm>>
      %dma_start3A_203 = arith.constant 0 : i32
      %dma_start3A_204 = arith.constant 0 : i32
      %dma_start3A_205 = tpu.memref_slice %arg4[%add3A_195, %dma_start3A_203, %dma_start3A_204] : memref<16384x50x32xf32, #tpu.memory_space<hbm>> -> memref<1x50x32xf32, #tpu.memory_space<hbm>>
      %dma_start3A_206 = tpu.memref_squeeze %dma_start3A_205 : memref<1x50x32xf32, #tpu.memory_space<hbm>> -> memref<50x32xf32, #tpu.memory_space<hbm>>
      %dma_start3A_207 = arith.constant 550 : i32
      %dma_start3A_208 = arith.constant 0 : i32
      %dma_start3A_209 = tpu.memref_slice %arg6[%dma_start3A_207, %dma_start3A_208] : memref<1600x32xf32, #tpu.memory_space<vmem>> -> memref<50x32xf32, #tpu.memory_space<vmem>>
      tpu.enqueue_dma source(%dma_start3A_209 : memref<50x32xf32, #tpu.memory_space<vmem>>) target(%dma_start3A_206 : memref<50x32xf32, #tpu.memory_space<hbm>>) target_semaphore(%arg8 : memref<!tpu.dma_semaphore, #tpu.memory_space<semaphore_mem>>)
      %add3A_210 = arith.constant 12 : i32
      %add3A_211 = arith.addi %add3A_11, %add3A_210 : i32
      %dma_start3A_212 = arith.constant 600 : i32
      %dma_start3A_213 = arith.constant 0 : i32
      %dma_start3A_214 = tpu.memref_slice %arg6[%dma_start3A_212, %dma_start3A_213] : memref<1600x32xf32, #tpu.memory_space<vmem>> -> memref<50x32xf32, #tpu.memory_space<vmem>>
      %dma_start3A_215 = arith.constant 0 : i32
      %dma_start3A_216 = arith.constant 0 : i32
      %dma_start3A_217 = tpu.memref_slice %arg4[%add3A_211, %dma_start3A_215, %dma_start3A_216] : memref<16384x50x32xf32, #tpu.memory_space<hbm>> -> memref<1x50x32xf32, #tpu.memory_space<hbm>>
      %dma_start3A_218 = tpu.memref_squeeze %dma_start3A_217 : memref<1x50x32xf32, #tpu.memory_space<hbm>> -> memref<50x32xf32, #tpu.memory_space<hbm>>
      %dma_start3A_219 = arith.constant 0 : i32
      %dma_start3A_220 = arith.constant 0 : i32
      %dma_start3A_221 = tpu.memref_slice %arg4[%add3A_211, %dma_start3A_219, %dma_start3A_220] : memref<16384x50x32xf32, #tpu.memory_space<hbm>> -> memref<1x50x32xf32, #tpu.memory_space<hbm>>
      %dma_start3A_222 = tpu.memref_squeeze %dma_start3A_221 : memref<1x50x32xf32, #tpu.memory_space<hbm>> -> memref<50x32xf32, #tpu.memory_space<hbm>>
      %dma_start3A_223 = arith.constant 600 : i32
      %dma_start3A_224 = arith.constant 0 : i32
      %dma_start3A_225 = tpu.memref_slice %arg6[%dma_start3A_223, %dma_start3A_224] : memref<1600x32xf32, #tpu.memory_space<vmem>> -> memref<50x32xf32, #tpu.memory_space<vmem>>
      tpu.enqueue_dma source(%dma_start3A_225 : memref<50x32xf32, #tpu.memory_space<vmem>>) target(%dma_start3A_222 : memref<50x32xf32, #tpu.memory_space<hbm>>) target_semaphore(%arg8 : memref<!tpu.dma_semaphore, #tpu.memory_space<semaphore_mem>>)
      %add3A_226 = arith.constant 13 : i32
      %add3A_227 = arith.addi %add3A_11, %add3A_226 : i32
      %dma_start3A_228 = arith.constant 650 : i32
      %dma_start3A_229 = arith.constant 0 : i32
      %dma_start3A_230 = tpu.memref_slice %arg6[%dma_start3A_228, %dma_start3A_229] : memref<1600x32xf32, #tpu.memory_space<vmem>> -> memref<50x32xf32, #tpu.memory_space<vmem>>
      %dma_start3A_231 = arith.constant 0 : i32
      %dma_start3A_232 = arith.constant 0 : i32
      %dma_start3A_233 = tpu.memref_slice %arg4[%add3A_227, %dma_start3A_231, %dma_start3A_232] : memref<16384x50x32xf32, #tpu.memory_space<hbm>> -> memref<1x50x32xf32, #tpu.memory_space<hbm>>
      %dma_start3A_234 = tpu.memref_squeeze %dma_start3A_233 : memref<1x50x32xf32, #tpu.memory_space<hbm>> -> memref<50x32xf32, #tpu.memory_space<hbm>>
      %dma_start3A_235 = arith.constant 0 : i32
      %dma_start3A_236 = arith.constant 0 : i32
      %dma_start3A_237 = tpu.memref_slice %arg4[%add3A_227, %dma_start3A_235, %dma_start3A_236] : memref<16384x50x32xf32, #tpu.memory_space<hbm>> -> memref<1x50x32xf32, #tpu.memory_space<hbm>>
      %dma_start3A_238 = tpu.memref_squeeze %dma_start3A_237 : memref<1x50x32xf32, #tpu.memory_space<hbm>> -> memref<50x32xf32, #tpu.memory_space<hbm>>
      %dma_start3A_239 = arith.constant 650 : i32
      %dma_start3A_240 = arith.constant 0 : i32
      %dma_start3A_241 = tpu.memref_slice %arg6[%dma_start3A_239, %dma_start3A_240] : memref<1600x32xf32, #tpu.memory_space<vmem>> -> memref<50x32xf32, #tpu.memory_space<vmem>>
      tpu.enqueue_dma source(%dma_start3A_241 : memref<50x32xf32, #tpu.memory_space<vmem>>) target(%dma_start3A_238 : memref<50x32xf32, #tpu.memory_space<hbm>>) target_semaphore(%arg8 : memref<!tpu.dma_semaphore, #tpu.memory_space<semaphore_mem>>)
      %add3A_242 = arith.constant 14 : i32
      %add3A_243 = arith.addi %add3A_11, %add3A_242 : i32
      %dma_start3A_244 = arith.constant 700 : i32
      %dma_start3A_245 = arith.constant 0 : i32
      %dma_start3A_246 = tpu.memref_slice %arg6[%dma_start3A_244, %dma_start3A_245] : memref<1600x32xf32, #tpu.memory_space<vmem>> -> memref<50x32xf32, #tpu.memory_space<vmem>>
      %dma_start3A_247 = arith.constant 0 : i32
      %dma_start3A_248 = arith.constant 0 : i32
      %dma_start3A_249 = tpu.memref_slice %arg4[%add3A_243, %dma_start3A_247, %dma_start3A_248] : memref<16384x50x32xf32, #tpu.memory_space<hbm>> -> memref<1x50x32xf32, #tpu.memory_space<hbm>>
      %dma_start3A_250 = tpu.memref_squeeze %dma_start3A_249 : memref<1x50x32xf32, #tpu.memory_space<hbm>> -> memref<50x32xf32, #tpu.memory_space<hbm>>
      %dma_start3A_251 = arith.constant 0 : i32
      %dma_start3A_252 = arith.constant 0 : i32
      %dma_start3A_253 = tpu.memref_slice %arg4[%add3A_243, %dma_start3A_251, %dma_start3A_252] : memref<16384x50x32xf32, #tpu.memory_space<hbm>> -> memref<1x50x32xf32, #tpu.memory_space<hbm>>
      %dma_start3A_254 = tpu.memref_squeeze %dma_start3A_253 : memref<1x50x32xf32, #tpu.memory_space<hbm>> -> memref<50x32xf32, #tpu.memory_space<hbm>>
      %dma_start3A_255 = arith.constant 700 : i32
      %dma_start3A_256 = arith.constant 0 : i32
      %dma_start3A_257 = tpu.memref_slice %arg6[%dma_start3A_255, %dma_start3A_256] : memref<1600x32xf32, #tpu.memory_space<vmem>> -> memref<50x32xf32, #tpu.memory_space<vmem>>
      tpu.enqueue_dma source(%dma_start3A_257 : memref<50x32xf32, #tpu.memory_space<vmem>>) target(%dma_start3A_254 : memref<50x32xf32, #tpu.memory_space<hbm>>) target_semaphore(%arg8 : memref<!tpu.dma_semaphore, #tpu.memory_space<semaphore_mem>>)
      %add3A_258 = arith.constant 15 : i32
      %add3A_259 = arith.addi %add3A_11, %add3A_258 : i32
      %dma_start3A_260 = arith.constant 750 : i32
      %dma_start3A_261 = arith.constant 0 : i32
      %dma_start3A_262 = tpu.memref_slice %arg6[%dma_start3A_260, %dma_start3A_261] : memref<1600x32xf32, #tpu.memory_space<vmem>> -> memref<50x32xf32, #tpu.memory_space<vmem>>
      %dma_start3A_263 = arith.constant 0 : i32
      %dma_start3A_264 = arith.constant 0 : i32
      %dma_start3A_265 = tpu.memref_slice %arg4[%add3A_259, %dma_start3A_263, %dma_start3A_264] : memref<16384x50x32xf32, #tpu.memory_space<hbm>> -> memref<1x50x32xf32, #tpu.memory_space<hbm>>
      %dma_start3A_266 = tpu.memref_squeeze %dma_start3A_265 : memref<1x50x32xf32, #tpu.memory_space<hbm>> -> memref<50x32xf32, #tpu.memory_space<hbm>>
      %dma_start3A_267 = arith.constant 0 : i32
      %dma_start3A_268 = arith.constant 0 : i32
      %dma_start3A_269 = tpu.memref_slice %arg4[%add3A_259, %dma_start3A_267, %dma_start3A_268] : memref<16384x50x32xf32, #tpu.memory_space<hbm>> -> memref<1x50x32xf32, #tpu.memory_space<hbm>>
      %dma_start3A_270 = tpu.memref_squeeze %dma_start3A_269 : memref<1x50x32xf32, #tpu.memory_space<hbm>> -> memref<50x32xf32, #tpu.memory_space<hbm>>
      %dma_start3A_271 = arith.constant 750 : i32
      %dma_start3A_272 = arith.constant 0 : i32
      %dma_start3A_273 = tpu.memref_slice %arg6[%dma_start3A_271, %dma_start3A_272] : memref<1600x32xf32, #tpu.memory_space<vmem>> -> memref<50x32xf32, #tpu.memory_space<vmem>>
      tpu.enqueue_dma source(%dma_start3A_273 : memref<50x32xf32, #tpu.memory_space<vmem>>) target(%dma_start3A_270 : memref<50x32xf32, #tpu.memory_space<hbm>>) target_semaphore(%arg8 : memref<!tpu.dma_semaphore, #tpu.memory_space<semaphore_mem>>)
      %add3A_274 = arith.constant 16 : i32
      %add3A_275 = arith.addi %add3A_11, %add3A_274 : i32
      %dma_start3A_276 = arith.constant 800 : i32
      %dma_start3A_277 = arith.constant 0 : i32
      %dma_start3A_278 = tpu.memref_slice %arg6[%dma_start3A_276, %dma_start3A_277] : memref<1600x32xf32, #tpu.memory_space<vmem>> -> memref<50x32xf32, #tpu.memory_space<vmem>>
      %dma_start3A_279 = arith.constant 0 : i32
      %dma_start3A_280 = arith.constant 0 : i32
      %dma_start3A_281 = tpu.memref_slice %arg4[%add3A_275, %dma_start3A_279, %dma_start3A_280] : memref<16384x50x32xf32, #tpu.memory_space<hbm>> -> memref<1x50x32xf32, #tpu.memory_space<hbm>>
      %dma_start3A_282 = tpu.memref_squeeze %dma_start3A_281 : memref<1x50x32xf32, #tpu.memory_space<hbm>> -> memref<50x32xf32, #tpu.memory_space<hbm>>
      %dma_start3A_283 = arith.constant 0 : i32
      %dma_start3A_284 = arith.constant 0 : i32
      %dma_start3A_285 = tpu.memref_slice %arg4[%add3A_275, %dma_start3A_283, %dma_start3A_284] : memref<16384x50x32xf32, #tpu.memory_space<hbm>> -> memref<1x50x32xf32, #tpu.memory_space<hbm>>
      %dma_start3A_286 = tpu.memref_squeeze %dma_start3A_285 : memref<1x50x32xf32, #tpu.memory_space<hbm>> -> memref<50x32xf32, #tpu.memory_space<hbm>>
      %dma_start3A_287 = arith.constant 800 : i32
      %dma_start3A_288 = arith.constant 0 : i32
      %dma_start3A_289 = tpu.memref_slice %arg6[%dma_start3A_287, %dma_start3A_288] : memref<1600x32xf32, #tpu.memory_space<vmem>> -> memref<50x32xf32, #tpu.memory_space<vmem>>
      tpu.enqueue_dma source(%dma_start3A_289 : memref<50x32xf32, #tpu.memory_space<vmem>>) target(%dma_start3A_286 : memref<50x32xf32, #tpu.memory_space<hbm>>) target_semaphore(%arg8 : memref<!tpu.dma_semaphore, #tpu.memory_space<semaphore_mem>>)
      %add3A_290 = arith.constant 17 : i32
      %add3A_291 = arith.addi %add3A_11, %add3A_290 : i32
      %dma_start3A_292 = arith.constant 850 : i32
      %dma_start3A_293 = arith.constant 0 : i32
      %dma_start3A_294 = tpu.memref_slice %arg6[%dma_start3A_292, %dma_start3A_293] : memref<1600x32xf32, #tpu.memory_space<vmem>> -> memref<50x32xf32, #tpu.memory_space<vmem>>
      %dma_start3A_295 = arith.constant 0 : i32
      %dma_start3A_296 = arith.constant 0 : i32
      %dma_start3A_297 = tpu.memref_slice %arg4[%add3A_291, %dma_start3A_295, %dma_start3A_296] : memref<16384x50x32xf32, #tpu.memory_space<hbm>> -> memref<1x50x32xf32, #tpu.memory_space<hbm>>
      %dma_start3A_298 = tpu.memref_squeeze %dma_start3A_297 : memref<1x50x32xf32, #tpu.memory_space<hbm>> -> memref<50x32xf32, #tpu.memory_space<hbm>>
      %dma_start3A_299 = arith.constant 0 : i32
      %dma_start3A_300 = arith.constant 0 : i32
      %dma_start3A_301 = tpu.memref_slice %arg4[%add3A_291, %dma_start3A_299, %dma_start3A_300] : memref<16384x50x32xf32, #tpu.memory_space<hbm>> -> memref<1x50x32xf32, #tpu.memory_space<hbm>>
      %dma_start3A_302 = tpu.memref_squeeze %dma_start3A_301 : memref<1x50x32xf32, #tpu.memory_space<hbm>> -> memref<50x32xf32, #tpu.memory_space<hbm>>
      %dma_start3A_303 = arith.constant 850 : i32
      %dma_start3A_304 = arith.constant 0 : i32
      %dma_start3A_305 = tpu.memref_slice %arg6[%dma_start3A_303, %dma_start3A_304] : memref<1600x32xf32, #tpu.memory_space<vmem>> -> memref<50x32xf32, #tpu.memory_space<vmem>>
      tpu.enqueue_dma source(%dma_start3A_305 : memref<50x32xf32, #tpu.memory_space<vmem>>) target(%dma_start3A_302 : memref<50x32xf32, #tpu.memory_space<hbm>>) target_semaphore(%arg8 : memref<!tpu.dma_semaphore, #tpu.memory_space<semaphore_mem>>)
      %add3A_306 = arith.constant 18 : i32
      %add3A_307 = arith.addi %add3A_11, %add3A_306 : i32
      %dma_start3A_308 = arith.constant 900 : i32
      %dma_start3A_309 = arith.constant 0 : i32
      %dma_start3A_310 = tpu.memref_slice %arg6[%dma_start3A_308, %dma_start3A_309] : memref<1600x32xf32, #tpu.memory_space<vmem>> -> memref<50x32xf32, #tpu.memory_space<vmem>>
      %dma_start3A_311 = arith.constant 0 : i32
      %dma_start3A_312 = arith.constant 0 : i32
      %dma_start3A_313 = tpu.memref_slice %arg4[%add3A_307, %dma_start3A_311, %dma_start3A_312] : memref<16384x50x32xf32, #tpu.memory_space<hbm>> -> memref<1x50x32xf32, #tpu.memory_space<hbm>>
      %dma_start3A_314 = tpu.memref_squeeze %dma_start3A_313 : memref<1x50x32xf32, #tpu.memory_space<hbm>> -> memref<50x32xf32, #tpu.memory_space<hbm>>
      %dma_start3A_315 = arith.constant 0 : i32
      %dma_start3A_316 = arith.constant 0 : i32
      %dma_start3A_317 = tpu.memref_slice %arg4[%add3A_307, %dma_start3A_315, %dma_start3A_316] : memref<16384x50x32xf32, #tpu.memory_space<hbm>> -> memref<1x50x32xf32, #tpu.memory_space<hbm>>
      %dma_start3A_318 = tpu.memref_squeeze %dma_start3A_317 : memref<1x50x32xf32, #tpu.memory_space<hbm>> -> memref<50x32xf32, #tpu.memory_space<hbm>>
      %dma_start3A_319 = arith.constant 900 : i32
      %dma_start3A_320 = arith.constant 0 : i32
      %dma_start3A_321 = tpu.memref_slice %arg6[%dma_start3A_319, %dma_start3A_320] : memref<1600x32xf32, #tpu.memory_space<vmem>> -> memref<50x32xf32, #tpu.memory_space<vmem>>
      tpu.enqueue_dma source(%dma_start3A_321 : memref<50x32xf32, #tpu.memory_space<vmem>>) target(%dma_start3A_318 : memref<50x32xf32, #tpu.memory_space<hbm>>) target_semaphore(%arg8 : memref<!tpu.dma_semaphore, #tpu.memory_space<semaphore_mem>>)
      %add3A_322 = arith.constant 19 : i32
      %add3A_323 = arith.addi %add3A_11, %add3A_322 : i32
      %dma_start3A_324 = arith.constant 950 : i32
      %dma_start3A_325 = arith.constant 0 : i32
      %dma_start3A_326 = tpu.memref_slice %arg6[%dma_start3A_324, %dma_start3A_325] : memref<1600x32xf32, #tpu.memory_space<vmem>> -> memref<50x32xf32, #tpu.memory_space<vmem>>
      %dma_start3A_327 = arith.constant 0 : i32
      %dma_start3A_328 = arith.constant 0 : i32
      %dma_start3A_329 = tpu.memref_slice %arg4[%add3A_323, %dma_start3A_327, %dma_start3A_328] : memref<16384x50x32xf32, #tpu.memory_space<hbm>> -> memref<1x50x32xf32, #tpu.memory_space<hbm>>
      %dma_start3A_330 = tpu.memref_squeeze %dma_start3A_329 : memref<1x50x32xf32, #tpu.memory_space<hbm>> -> memref<50x32xf32, #tpu.memory_space<hbm>>
      %dma_start3A_331 = arith.constant 0 : i32
      %dma_start3A_332 = arith.constant 0 : i32
      %dma_start3A_333 = tpu.memref_slice %arg4[%add3A_323, %dma_start3A_331, %dma_start3A_332] : memref<16384x50x32xf32, #tpu.memory_space<hbm>> -> memref<1x50x32xf32, #tpu.memory_space<hbm>>
      %dma_start3A_334 = tpu.memref_squeeze %dma_start3A_333 : memref<1x50x32xf32, #tpu.memory_space<hbm>> -> memref<50x32xf32, #tpu.memory_space<hbm>>
      %dma_start3A_335 = arith.constant 950 : i32
      %dma_start3A_336 = arith.constant 0 : i32
      %dma_start3A_337 = tpu.memref_slice %arg6[%dma_start3A_335, %dma_start3A_336] : memref<1600x32xf32, #tpu.memory_space<vmem>> -> memref<50x32xf32, #tpu.memory_space<vmem>>
      tpu.enqueue_dma source(%dma_start3A_337 : memref<50x32xf32, #tpu.memory_space<vmem>>) target(%dma_start3A_334 : memref<50x32xf32, #tpu.memory_space<hbm>>) target_semaphore(%arg8 : memref<!tpu.dma_semaphore, #tpu.memory_space<semaphore_mem>>)
      %add3A_338 = arith.constant 20 : i32
      %add3A_339 = arith.addi %add3A_11, %add3A_338 : i32
      %dma_start3A_340 = arith.constant 1000 : i32
      %dma_start3A_341 = arith.constant 0 : i32
      %dma_start3A_342 = tpu.memref_slice %arg6[%dma_start3A_340, %dma_start3A_341] : memref<1600x32xf32, #tpu.memory_space<vmem>> -> memref<50x32xf32, #tpu.memory_space<vmem>>
      %dma_start3A_343 = arith.constant 0 : i32
      %dma_start3A_344 = arith.constant 0 : i32
      %dma_start3A_345 = tpu.memref_slice %arg4[%add3A_339, %dma_start3A_343, %dma_start3A_344] : memref<16384x50x32xf32, #tpu.memory_space<hbm>> -> memref<1x50x32xf32, #tpu.memory_space<hbm>>
      %dma_start3A_346 = tpu.memref_squeeze %dma_start3A_345 : memref<1x50x32xf32, #tpu.memory_space<hbm>> -> memref<50x32xf32, #tpu.memory_space<hbm>>
      %dma_start3A_347 = arith.constant 0 : i32
      %dma_start3A_348 = arith.constant 0 : i32
      %dma_start3A_349 = tpu.memref_slice %arg4[%add3A_339, %dma_start3A_347, %dma_start3A_348] : memref<16384x50x32xf32, #tpu.memory_space<hbm>> -> memref<1x50x32xf32, #tpu.memory_space<hbm>>
      %dma_start3A_350 = tpu.memref_squeeze %dma_start3A_349 : memref<1x50x32xf32, #tpu.memory_space<hbm>> -> memref<50x32xf32, #tpu.memory_space<hbm>>
      %dma_start3A_351 = arith.constant 1000 : i32
      %dma_start3A_352 = arith.constant 0 : i32
      %dma_start3A_353 = tpu.memref_slice %arg6[%dma_start3A_351, %dma_start3A_352] : memref<1600x32xf32, #tpu.memory_space<vmem>> -> memref<50x32xf32, #tpu.memory_space<vmem>>
      tpu.enqueue_dma source(%dma_start3A_353 : memref<50x32xf32, #tpu.memory_space<vmem>>) target(%dma_start3A_350 : memref<50x32xf32, #tpu.memory_space<hbm>>) target_semaphore(%arg8 : memref<!tpu.dma_semaphore, #tpu.memory_space<semaphore_mem>>)
      %add3A_354 = arith.constant 21 : i32
      %add3A_355 = arith.addi %add3A_11, %add3A_354 : i32
      %dma_start3A_356 = arith.constant 1050 : i32
      %dma_start3A_357 = arith.constant 0 : i32
      %dma_start3A_358 = tpu.memref_slice %arg6[%dma_start3A_356, %dma_start3A_357] : memref<1600x32xf32, #tpu.memory_space<vmem>> -> memref<50x32xf32, #tpu.memory_space<vmem>>
      %dma_start3A_359 = arith.constant 0 : i32
      %dma_start3A_360 = arith.constant 0 : i32
      %dma_start3A_361 = tpu.memref_slice %arg4[%add3A_355, %dma_start3A_359, %dma_start3A_360] : memref<16384x50x32xf32, #tpu.memory_space<hbm>> -> memref<1x50x32xf32, #tpu.memory_space<hbm>>
      %dma_start3A_362 = tpu.memref_squeeze %dma_start3A_361 : memref<1x50x32xf32, #tpu.memory_space<hbm>> -> memref<50x32xf32, #tpu.memory_space<hbm>>
      %dma_start3A_363 = arith.constant 0 : i32
      %dma_start3A_364 = arith.constant 0 : i32
      %dma_start3A_365 = tpu.memref_slice %arg4[%add3A_355, %dma_start3A_363, %dma_start3A_364] : memref<16384x50x32xf32, #tpu.memory_space<hbm>> -> memref<1x50x32xf32, #tpu.memory_space<hbm>>
      %dma_start3A_366 = tpu.memref_squeeze %dma_start3A_365 : memref<1x50x32xf32, #tpu.memory_space<hbm>> -> memref<50x32xf32, #tpu.memory_space<hbm>>
      %dma_start3A_367 = arith.constant 1050 : i32
      %dma_start3A_368 = arith.constant 0 : i32
      %dma_start3A_369 = tpu.memref_slice %arg6[%dma_start3A_367, %dma_start3A_368] : memref<1600x32xf32, #tpu.memory_space<vmem>> -> memref<50x32xf32, #tpu.memory_space<vmem>>
      tpu.enqueue_dma source(%dma_start3A_369 : memref<50x32xf32, #tpu.memory_space<vmem>>) target(%dma_start3A_366 : memref<50x32xf32, #tpu.memory_space<hbm>>) target_semaphore(%arg8 : memref<!tpu.dma_semaphore, #tpu.memory_space<semaphore_mem>>)
      %add3A_370 = arith.constant 22 : i32
      %add3A_371 = arith.addi %add3A_11, %add3A_370 : i32
      %dma_start3A_372 = arith.constant 1100 : i32
      %dma_start3A_373 = arith.constant 0 : i32
      %dma_start3A_374 = tpu.memref_slice %arg6[%dma_start3A_372, %dma_start3A_373] : memref<1600x32xf32, #tpu.memory_space<vmem>> -> memref<50x32xf32, #tpu.memory_space<vmem>>
      %dma_start3A_375 = arith.constant 0 : i32
      %dma_start3A_376 = arith.constant 0 : i32
      %dma_start3A_377 = tpu.memref_slice %arg4[%add3A_371, %dma_start3A_375, %dma_start3A_376] : memref<16384x50x32xf32, #tpu.memory_space<hbm>> -> memref<1x50x32xf32, #tpu.memory_space<hbm>>
      %dma_start3A_378 = tpu.memref_squeeze %dma_start3A_377 : memref<1x50x32xf32, #tpu.memory_space<hbm>> -> memref<50x32xf32, #tpu.memory_space<hbm>>
      %dma_start3A_379 = arith.constant 0 : i32
      %dma_start3A_380 = arith.constant 0 : i32
      %dma_start3A_381 = tpu.memref_slice %arg4[%add3A_371, %dma_start3A_379, %dma_start3A_380] : memref<16384x50x32xf32, #tpu.memory_space<hbm>> -> memref<1x50x32xf32, #tpu.memory_space<hbm>>
      %dma_start3A_382 = tpu.memref_squeeze %dma_start3A_381 : memref<1x50x32xf32, #tpu.memory_space<hbm>> -> memref<50x32xf32, #tpu.memory_space<hbm>>
      %dma_start3A_383 = arith.constant 1100 : i32
      %dma_start3A_384 = arith.constant 0 : i32
      %dma_start3A_385 = tpu.memref_slice %arg6[%dma_start3A_383, %dma_start3A_384] : memref<1600x32xf32, #tpu.memory_space<vmem>> -> memref<50x32xf32, #tpu.memory_space<vmem>>
      tpu.enqueue_dma source(%dma_start3A_385 : memref<50x32xf32, #tpu.memory_space<vmem>>) target(%dma_start3A_382 : memref<50x32xf32, #tpu.memory_space<hbm>>) target_semaphore(%arg8 : memref<!tpu.dma_semaphore, #tpu.memory_space<semaphore_mem>>)
      %add3A_386 = arith.constant 23 : i32
      %add3A_387 = arith.addi %add3A_11, %add3A_386 : i32
      %dma_start3A_388 = arith.constant 1150 : i32
      %dma_start3A_389 = arith.constant 0 : i32
      %dma_start3A_390 = tpu.memref_slice %arg6[%dma_start3A_388, %dma_start3A_389] : memref<1600x32xf32, #tpu.memory_space<vmem>> -> memref<50x32xf32, #tpu.memory_space<vmem>>
      %dma_start3A_391 = arith.constant 0 : i32
      %dma_start3A_392 = arith.constant 0 : i32
      %dma_start3A_393 = tpu.memref_slice %arg4[%add3A_387, %dma_start3A_391, %dma_start3A_392] : memref<16384x50x32xf32, #tpu.memory_space<hbm>> -> memref<1x50x32xf32, #tpu.memory_space<hbm>>
      %dma_start3A_394 = tpu.memref_squeeze %dma_start3A_393 : memref<1x50x32xf32, #tpu.memory_space<hbm>> -> memref<50x32xf32, #tpu.memory_space<hbm>>
      %dma_start3A_395 = arith.constant 0 : i32
      %dma_start3A_396 = arith.constant 0 : i32
      %dma_start3A_397 = tpu.memref_slice %arg4[%add3A_387, %dma_start3A_395, %dma_start3A_396] : memref<16384x50x32xf32, #tpu.memory_space<hbm>> -> memref<1x50x32xf32, #tpu.memory_space<hbm>>
      %dma_start3A_398 = tpu.memref_squeeze %dma_start3A_397 : memref<1x50x32xf32, #tpu.memory_space<hbm>> -> memref<50x32xf32, #tpu.memory_space<hbm>>
      %dma_start3A_399 = arith.constant 1150 : i32
      %dma_start3A_400 = arith.constant 0 : i32
      %dma_start3A_401 = tpu.memref_slice %arg6[%dma_start3A_399, %dma_start3A_400] : memref<1600x32xf32, #tpu.memory_space<vmem>> -> memref<50x32xf32, #tpu.memory_space<vmem>>
      tpu.enqueue_dma source(%dma_start3A_401 : memref<50x32xf32, #tpu.memory_space<vmem>>) target(%dma_start3A_398 : memref<50x32xf32, #tpu.memory_space<hbm>>) target_semaphore(%arg8 : memref<!tpu.dma_semaphore, #tpu.memory_space<semaphore_mem>>)
      %add3A_402 = arith.constant 24 : i32
      %add3A_403 = arith.addi %add3A_11, %add3A_402 : i32
      %dma_start3A_404 = arith.constant 1200 : i32
      %dma_start3A_405 = arith.constant 0 : i32
      %dma_start3A_406 = tpu.memref_slice %arg6[%dma_start3A_404, %dma_start3A_405] : memref<1600x32xf32, #tpu.memory_space<vmem>> -> memref<50x32xf32, #tpu.memory_space<vmem>>
      %dma_start3A_407 = arith.constant 0 : i32
      %dma_start3A_408 = arith.constant 0 : i32
      %dma_start3A_409 = tpu.memref_slice %arg4[%add3A_403, %dma_start3A_407, %dma_start3A_408] : memref<16384x50x32xf32, #tpu.memory_space<hbm>> -> memref<1x50x32xf32, #tpu.memory_space<hbm>>
      %dma_start3A_410 = tpu.memref_squeeze %dma_start3A_409 : memref<1x50x32xf32, #tpu.memory_space<hbm>> -> memref<50x32xf32, #tpu.memory_space<hbm>>
      %dma_start3A_411 = arith.constant 0 : i32
      %dma_start3A_412 = arith.constant 0 : i32
      %dma_start3A_413 = tpu.memref_slice %arg4[%add3A_403, %dma_start3A_411, %dma_start3A_412] : memref<16384x50x32xf32, #tpu.memory_space<hbm>> -> memref<1x50x32xf32, #tpu.memory_space<hbm>>
      %dma_start3A_414 = tpu.memref_squeeze %dma_start3A_413 : memref<1x50x32xf32, #tpu.memory_space<hbm>> -> memref<50x32xf32, #tpu.memory_space<hbm>>
      %dma_start3A_415 = arith.constant 1200 : i32
      %dma_start3A_416 = arith.constant 0 : i32
      %dma_start3A_417 = tpu.memref_slice %arg6[%dma_start3A_415, %dma_start3A_416] : memref<1600x32xf32, #tpu.memory_space<vmem>> -> memref<50x32xf32, #tpu.memory_space<vmem>>
      tpu.enqueue_dma source(%dma_start3A_417 : memref<50x32xf32, #tpu.memory_space<vmem>>) target(%dma_start3A_414 : memref<50x32xf32, #tpu.memory_space<hbm>>) target_semaphore(%arg8 : memref<!tpu.dma_semaphore, #tpu.memory_space<semaphore_mem>>)
      %add3A_418 = arith.constant 25 : i32
      %add3A_419 = arith.addi %add3A_11, %add3A_418 : i32
      %dma_start3A_420 = arith.constant 1250 : i32
      %dma_start3A_421 = arith.constant 0 : i32
      %dma_start3A_422 = tpu.memref_slice %arg6[%dma_start3A_420, %dma_start3A_421] : memref<1600x32xf32, #tpu.memory_space<vmem>> -> memref<50x32xf32, #tpu.memory_space<vmem>>
      %dma_start3A_423 = arith.constant 0 : i32
      %dma_start3A_424 = arith.constant 0 : i32
      %dma_start3A_425 = tpu.memref_slice %arg4[%add3A_419, %dma_start3A_423, %dma_start3A_424] : memref<16384x50x32xf32, #tpu.memory_space<hbm>> -> memref<1x50x32xf32, #tpu.memory_space<hbm>>
      %dma_start3A_426 = tpu.memref_squeeze %dma_start3A_425 : memref<1x50x32xf32, #tpu.memory_space<hbm>> -> memref<50x32xf32, #tpu.memory_space<hbm>>
      %dma_start3A_427 = arith.constant 0 : i32
      %dma_start3A_428 = arith.constant 0 : i32
      %dma_start3A_429 = tpu.memref_slice %arg4[%add3A_419, %dma_start3A_427, %dma_start3A_428] : memref<16384x50x32xf32, #tpu.memory_space<hbm>> -> memref<1x50x32xf32, #tpu.memory_space<hbm>>
      %dma_start3A_430 = tpu.memref_squeeze %dma_start3A_429 : memref<1x50x32xf32, #tpu.memory_space<hbm>> -> memref<50x32xf32, #tpu.memory_space<hbm>>
      %dma_start3A_431 = arith.constant 1250 : i32
      %dma_start3A_432 = arith.constant 0 : i32
      %dma_start3A_433 = tpu.memref_slice %arg6[%dma_start3A_431, %dma_start3A_432] : memref<1600x32xf32, #tpu.memory_space<vmem>> -> memref<50x32xf32, #tpu.memory_space<vmem>>
      tpu.enqueue_dma source(%dma_start3A_433 : memref<50x32xf32, #tpu.memory_space<vmem>>) target(%dma_start3A_430 : memref<50x32xf32, #tpu.memory_space<hbm>>) target_semaphore(%arg8 : memref<!tpu.dma_semaphore, #tpu.memory_space<semaphore_mem>>)
      %add3A_434 = arith.constant 26 : i32
      %add3A_435 = arith.addi %add3A_11, %add3A_434 : i32
      %dma_start3A_436 = arith.constant 1300 : i32
      %dma_start3A_437 = arith.constant 0 : i32
      %dma_start3A_438 = tpu.memref_slice %arg6[%dma_start3A_436, %dma_start3A_437] : memref<1600x32xf32, #tpu.memory_space<vmem>> -> memref<50x32xf32, #tpu.memory_space<vmem>>
      %dma_start3A_439 = arith.constant 0 : i32
      %dma_start3A_440 = arith.constant 0 : i32
      %dma_start3A_441 = tpu.memref_slice %arg4[%add3A_435, %dma_start3A_439, %dma_start3A_440] : memref<16384x50x32xf32, #tpu.memory_space<hbm>> -> memref<1x50x32xf32, #tpu.memory_space<hbm>>
      %dma_start3A_442 = tpu.memref_squeeze %dma_start3A_441 : memref<1x50x32xf32, #tpu.memory_space<hbm>> -> memref<50x32xf32, #tpu.memory_space<hbm>>
      %dma_start3A_443 = arith.constant 0 : i32
      %dma_start3A_444 = arith.constant 0 : i32
      %dma_start3A_445 = tpu.memref_slice %arg4[%add3A_435, %dma_start3A_443, %dma_start3A_444] : memref<16384x50x32xf32, #tpu.memory_space<hbm>> -> memref<1x50x32xf32, #tpu.memory_space<hbm>>
      %dma_start3A_446 = tpu.memref_squeeze %dma_start3A_445 : memref<1x50x32xf32, #tpu.memory_space<hbm>> -> memref<50x32xf32, #tpu.memory_space<hbm>>
      %dma_start3A_447 = arith.constant 1300 : i32
      %dma_start3A_448 = arith.constant 0 : i32
      %dma_start3A_449 = tpu.memref_slice %arg6[%dma_start3A_447, %dma_start3A_448] : memref<1600x32xf32, #tpu.memory_space<vmem>> -> memref<50x32xf32, #tpu.memory_space<vmem>>
      tpu.enqueue_dma source(%dma_start3A_449 : memref<50x32xf32, #tpu.memory_space<vmem>>) target(%dma_start3A_446 : memref<50x32xf32, #tpu.memory_space<hbm>>) target_semaphore(%arg8 : memref<!tpu.dma_semaphore, #tpu.memory_space<semaphore_mem>>)
      %add3A_450 = arith.constant 27 : i32
      %add3A_451 = arith.addi %add3A_11, %add3A_450 : i32
      %dma_start3A_452 = arith.constant 1350 : i32
      %dma_start3A_453 = arith.constant 0 : i32
      %dma_start3A_454 = tpu.memref_slice %arg6[%dma_start3A_452, %dma_start3A_453] : memref<1600x32xf32, #tpu.memory_space<vmem>> -> memref<50x32xf32, #tpu.memory_space<vmem>>
      %dma_start3A_455 = arith.constant 0 : i32
      %dma_start3A_456 = arith.constant 0 : i32
      %dma_start3A_457 = tpu.memref_slice %arg4[%add3A_451, %dma_start3A_455, %dma_start3A_456] : memref<16384x50x32xf32, #tpu.memory_space<hbm>> -> memref<1x50x32xf32, #tpu.memory_space<hbm>>
      %dma_start3A_458 = tpu.memref_squeeze %dma_start3A_457 : memref<1x50x32xf32, #tpu.memory_space<hbm>> -> memref<50x32xf32, #tpu.memory_space<hbm>>
      %dma_start3A_459 = arith.constant 0 : i32
      %dma_start3A_460 = arith.constant 0 : i32
      %dma_start3A_461 = tpu.memref_slice %arg4[%add3A_451, %dma_start3A_459, %dma_start3A_460] : memref<16384x50x32xf32, #tpu.memory_space<hbm>> -> memref<1x50x32xf32, #tpu.memory_space<hbm>>
      %dma_start3A_462 = tpu.memref_squeeze %dma_start3A_461 : memref<1x50x32xf32, #tpu.memory_space<hbm>> -> memref<50x32xf32, #tpu.memory_space<hbm>>
      %dma_start3A_463 = arith.constant 1350 : i32
      %dma_start3A_464 = arith.constant 0 : i32
      %dma_start3A_465 = tpu.memref_slice %arg6[%dma_start3A_463, %dma_start3A_464] : memref<1600x32xf32, #tpu.memory_space<vmem>> -> memref<50x32xf32, #tpu.memory_space<vmem>>
      tpu.enqueue_dma source(%dma_start3A_465 : memref<50x32xf32, #tpu.memory_space<vmem>>) target(%dma_start3A_462 : memref<50x32xf32, #tpu.memory_space<hbm>>) target_semaphore(%arg8 : memref<!tpu.dma_semaphore, #tpu.memory_space<semaphore_mem>>)
      %add3A_466 = arith.constant 28 : i32
      %add3A_467 = arith.addi %add3A_11, %add3A_466 : i32
      %dma_start3A_468 = arith.constant 1400 : i32
      %dma_start3A_469 = arith.constant 0 : i32
      %dma_start3A_470 = tpu.memref_slice %arg6[%dma_start3A_468, %dma_start3A_469] : memref<1600x32xf32, #tpu.memory_space<vmem>> -> memref<50x32xf32, #tpu.memory_space<vmem>>
      %dma_start3A_471 = arith.constant 0 : i32
      %dma_start3A_472 = arith.constant 0 : i32
      %dma_start3A_473 = tpu.memref_slice %arg4[%add3A_467, %dma_start3A_471, %dma_start3A_472] : memref<16384x50x32xf32, #tpu.memory_space<hbm>> -> memref<1x50x32xf32, #tpu.memory_space<hbm>>
      %dma_start3A_474 = tpu.memref_squeeze %dma_start3A_473 : memref<1x50x32xf32, #tpu.memory_space<hbm>> -> memref<50x32xf32, #tpu.memory_space<hbm>>
      %dma_start3A_475 = arith.constant 0 : i32
      %dma_start3A_476 = arith.constant 0 : i32
      %dma_start3A_477 = tpu.memref_slice %arg4[%add3A_467, %dma_start3A_475, %dma_start3A_476] : memref<16384x50x32xf32, #tpu.memory_space<hbm>> -> memref<1x50x32xf32, #tpu.memory_space<hbm>>
      %dma_start3A_478 = tpu.memref_squeeze %dma_start3A_477 : memref<1x50x32xf32, #tpu.memory_space<hbm>> -> memref<50x32xf32, #tpu.memory_space<hbm>>
      %dma_start3A_479 = arith.constant 1400 : i32
      %dma_start3A_480 = arith.constant 0 : i32
      %dma_start3A_481 = tpu.memref_slice %arg6[%dma_start3A_479, %dma_start3A_480] : memref<1600x32xf32, #tpu.memory_space<vmem>> -> memref<50x32xf32, #tpu.memory_space<vmem>>
      tpu.enqueue_dma source(%dma_start3A_481 : memref<50x32xf32, #tpu.memory_space<vmem>>) target(%dma_start3A_478 : memref<50x32xf32, #tpu.memory_space<hbm>>) target_semaphore(%arg8 : memref<!tpu.dma_semaphore, #tpu.memory_space<semaphore_mem>>)
      %add3A_482 = arith.constant 29 : i32
      %add3A_483 = arith.addi %add3A_11, %add3A_482 : i32
      %dma_start3A_484 = arith.constant 1450 : i32
      %dma_start3A_485 = arith.constant 0 : i32
      %dma_start3A_486 = tpu.memref_slice %arg6[%dma_start3A_484, %dma_start3A_485] : memref<1600x32xf32, #tpu.memory_space<vmem>> -> memref<50x32xf32, #tpu.memory_space<vmem>>
      %dma_start3A_487 = arith.constant 0 : i32
      %dma_start3A_488 = arith.constant 0 : i32
      %dma_start3A_489 = tpu.memref_slice %arg4[%add3A_483, %dma_start3A_487, %dma_start3A_488] : memref<16384x50x32xf32, #tpu.memory_space<hbm>> -> memref<1x50x32xf32, #tpu.memory_space<hbm>>
      %dma_start3A_490 = tpu.memref_squeeze %dma_start3A_489 : memref<1x50x32xf32, #tpu.memory_space<hbm>> -> memref<50x32xf32, #tpu.memory_space<hbm>>
      %dma_start3A_491 = arith.constant 0 : i32
      %dma_start3A_492 = arith.constant 0 : i32
      %dma_start3A_493 = tpu.memref_slice %arg4[%add3A_483, %dma_start3A_491, %dma_start3A_492] : memref<16384x50x32xf32, #tpu.memory_space<hbm>> -> memref<1x50x32xf32, #tpu.memory_space<hbm>>
      %dma_start3A_494 = tpu.memref_squeeze %dma_start3A_493 : memref<1x50x32xf32, #tpu.memory_space<hbm>> -> memref<50x32xf32, #tpu.memory_space<hbm>>
      %dma_start3A_495 = arith.constant 1450 : i32
      %dma_start3A_496 = arith.constant 0 : i32
      %dma_start3A_497 = tpu.memref_slice %arg6[%dma_start3A_495, %dma_start3A_496] : memref<1600x32xf32, #tpu.memory_space<vmem>> -> memref<50x32xf32, #tpu.memory_space<vmem>>
      tpu.enqueue_dma source(%dma_start3A_497 : memref<50x32xf32, #tpu.memory_space<vmem>>) target(%dma_start3A_494 : memref<50x32xf32, #tpu.memory_space<hbm>>) target_semaphore(%arg8 : memref<!tpu.dma_semaphore, #tpu.memory_space<semaphore_mem>>)
      %add3A_498 = arith.constant 30 : i32
      %add3A_499 = arith.addi %add3A_11, %add3A_498 : i32
      %dma_start3A_500 = arith.constant 1500 : i32
      %dma_start3A_501 = arith.constant 0 : i32
      %dma_start3A_502 = tpu.memref_slice %arg6[%dma_start3A_500, %dma_start3A_501] : memref<1600x32xf32, #tpu.memory_space<vmem>> -> memref<50x32xf32, #tpu.memory_space<vmem>>
      %dma_start3A_503 = arith.constant 0 : i32
      %dma_start3A_504 = arith.constant 0 : i32
      %dma_start3A_505 = tpu.memref_slice %arg4[%add3A_499, %dma_start3A_503, %dma_start3A_504] : memref<16384x50x32xf32, #tpu.memory_space<hbm>> -> memref<1x50x32xf32, #tpu.memory_space<hbm>>
      %dma_start3A_506 = tpu.memref_squeeze %dma_start3A_505 : memref<1x50x32xf32, #tpu.memory_space<hbm>> -> memref<50x32xf32, #tpu.memory_space<hbm>>
      %dma_start3A_507 = arith.constant 0 : i32
      %dma_start3A_508 = arith.constant 0 : i32
      %dma_start3A_509 = tpu.memref_slice %arg4[%add3A_499, %dma_start3A_507, %dma_start3A_508] : memref<16384x50x32xf32, #tpu.memory_space<hbm>> -> memref<1x50x32xf32, #tpu.memory_space<hbm>>
      %dma_start3A_510 = tpu.memref_squeeze %dma_start3A_509 : memref<1x50x32xf32, #tpu.memory_space<hbm>> -> memref<50x32xf32, #tpu.memory_space<hbm>>
      %dma_start3A_511 = arith.constant 1500 : i32
      %dma_start3A_512 = arith.constant 0 : i32
      %dma_start3A_513 = tpu.memref_slice %arg6[%dma_start3A_511, %dma_start3A_512] : memref<1600x32xf32, #tpu.memory_space<vmem>> -> memref<50x32xf32, #tpu.memory_space<vmem>>
      tpu.enqueue_dma source(%dma_start3A_513 : memref<50x32xf32, #tpu.memory_space<vmem>>) target(%dma_start3A_510 : memref<50x32xf32, #tpu.memory_space<hbm>>) target_semaphore(%arg8 : memref<!tpu.dma_semaphore, #tpu.memory_space<semaphore_mem>>)
      %add3A_514 = arith.constant 31 : i32
      %add3A_515 = arith.addi %add3A_11, %add3A_514 : i32
      %dma_start3A_516 = arith.constant 1550 : i32
      %dma_start3A_517 = arith.constant 0 : i32
      %dma_start3A_518 = tpu.memref_slice %arg6[%dma_start3A_516, %dma_start3A_517] : memref<1600x32xf32, #tpu.memory_space<vmem>> -> memref<50x32xf32, #tpu.memory_space<vmem>>
      %dma_start3A_519 = arith.constant 0 : i32
      %dma_start3A_520 = arith.constant 0 : i32
      %dma_start3A_521 = tpu.memref_slice %arg4[%add3A_515, %dma_start3A_519, %dma_start3A_520] : memref<16384x50x32xf32, #tpu.memory_space<hbm>> -> memref<1x50x32xf32, #tpu.memory_space<hbm>>
      %dma_start3A_522 = tpu.memref_squeeze %dma_start3A_521 : memref<1x50x32xf32, #tpu.memory_space<hbm>> -> memref<50x32xf32, #tpu.memory_space<hbm>>
      %dma_start3A_523 = arith.constant 0 : i32
      %dma_start3A_524 = arith.constant 0 : i32
      %dma_start3A_525 = tpu.memref_slice %arg4[%add3A_515, %dma_start3A_523, %dma_start3A_524] : memref<16384x50x32xf32, #tpu.memory_space<hbm>> -> memref<1x50x32xf32, #tpu.memory_space<hbm>>
      %dma_start3A_526 = tpu.memref_squeeze %dma_start3A_525 : memref<1x50x32xf32, #tpu.memory_space<hbm>> -> memref<50x32xf32, #tpu.memory_space<hbm>>
      %dma_start3A_527 = arith.constant 1550 : i32
      %dma_start3A_528 = arith.constant 0 : i32
      %dma_start3A_529 = tpu.memref_slice %arg6[%dma_start3A_527, %dma_start3A_528] : memref<1600x32xf32, #tpu.memory_space<vmem>> -> memref<50x32xf32, #tpu.memory_space<vmem>>
      tpu.enqueue_dma source(%dma_start3A_529 : memref<50x32xf32, #tpu.memory_space<vmem>>) target(%dma_start3A_526 : memref<50x32xf32, #tpu.memory_space<hbm>>) target_semaphore(%arg8 : memref<!tpu.dma_semaphore, #tpu.memory_space<semaphore_mem>>)
      %dma_wait3A_530 = arith.constant 0 : i32
      %dma_wait3A_531 = arith.constant 0 : i32
      %dma_wait3A_532 = tpu.memref_slice %arg6[%dma_wait3A_530, %dma_wait3A_531] : memref<1600x32xf32, #tpu.memory_space<vmem>> -> memref<50x32xf32, #tpu.memory_space<vmem>>
      %dma_wait3A_533 = arith.constant 0 : i32
      %dma_wait3A_534 = arith.constant 0 : i32
      %dma_wait3A_535 = tpu.memref_slice %arg4[%add3A_19, %dma_wait3A_533, %dma_wait3A_534] : memref<16384x50x32xf32, #tpu.memory_space<hbm>> -> memref<1x50x32xf32, #tpu.memory_space<hbm>>
      %dma_wait3A_536 = tpu.memref_squeeze %dma_wait3A_535 : memref<1x50x32xf32, #tpu.memory_space<hbm>> -> memref<50x32xf32, #tpu.memory_space<hbm>>
      %dma_wait3A_537 = arith.constant 0 : i32
      %dma_wait3A_538 = arith.constant 0 : i32
      %dma_wait3A_539 = tpu.memref_slice %arg4[%add3A_19, %dma_wait3A_537, %dma_wait3A_538] : memref<16384x50x32xf32, #tpu.memory_space<hbm>> -> memref<1x50x32xf32, #tpu.memory_space<hbm>>
      %dma_wait3A_540 = tpu.memref_squeeze %dma_wait3A_539 : memref<1x50x32xf32, #tpu.memory_space<hbm>> -> memref<50x32xf32, #tpu.memory_space<hbm>>
      %dma_wait3A_541 = arith.constant 0 : i32
      %dma_wait3A_542 = arith.constant 0 : i32
      %dma_wait3A_543 = tpu.memref_slice %arg6[%dma_wait3A_541, %dma_wait3A_542] : memref<1600x32xf32, #tpu.memory_space<vmem>> -> memref<50x32xf32, #tpu.memory_space<vmem>>
      tpu.wait_dma2 semaphore(%arg8 : memref<!tpu.dma_semaphore, #tpu.memory_space<semaphore_mem>>) src(%dma_wait3A_543 : memref<50x32xf32, #tpu.memory_space<vmem>>) dst(%dma_wait3A_540 : memref<50x32xf32, #tpu.memory_space<hbm>>)
      %dma_wait3A_544 = arith.constant 50 : i32
      %dma_wait3A_545 = arith.constant 0 : i32
      %dma_wait3A_546 = tpu.memref_slice %arg6[%dma_wait3A_544, %dma_wait3A_545] : memref<1600x32xf32, #tpu.memory_space<vmem>> -> memref<50x32xf32, #tpu.memory_space<vmem>>
      %dma_wait3A_547 = arith.constant 0 : i32
      %dma_wait3A_548 = arith.constant 0 : i32
      %dma_wait3A_549 = tpu.memref_slice %arg4[%add3A_35, %dma_wait3A_547, %dma_wait3A_548] : memref<16384x50x32xf32, #tpu.memory_space<hbm>> -> memref<1x50x32xf32, #tpu.memory_space<hbm>>
      %dma_wait3A_550 = tpu.memref_squeeze %dma_wait3A_549 : memref<1x50x32xf32, #tpu.memory_space<hbm>> -> memref<50x32xf32, #tpu.memory_space<hbm>>
      %dma_wait3A_551 = arith.constant 0 : i32
      %dma_wait3A_552 = arith.constant 0 : i32
      %dma_wait3A_553 = tpu.memref_slice %arg4[%add3A_35, %dma_wait3A_551, %dma_wait3A_552] : memref<16384x50x32xf32, #tpu.memory_space<hbm>> -> memref<1x50x32xf32, #tpu.memory_space<hbm>>
      %dma_wait3A_554 = tpu.memref_squeeze %dma_wait3A_553 : memref<1x50x32xf32, #tpu.memory_space<hbm>> -> memref<50x32xf32, #tpu.memory_space<hbm>>
      %dma_wait3A_555 = arith.constant 50 : i32
      %dma_wait3A_556 = arith.constant 0 : i32
      %dma_wait3A_557 = tpu.memref_slice %arg6[%dma_wait3A_555, %dma_wait3A_556] : memref<1600x32xf32, #tpu.memory_space<vmem>> -> memref<50x32xf32, #tpu.memory_space<vmem>>
      tpu.wait_dma2 semaphore(%arg8 : memref<!tpu.dma_semaphore, #tpu.memory_space<semaphore_mem>>) src(%dma_wait3A_557 : memref<50x32xf32, #tpu.memory_space<vmem>>) dst(%dma_wait3A_554 : memref<50x32xf32, #tpu.memory_space<hbm>>)
      %dma_wait3A_558 = arith.constant 100 : i32
      %dma_wait3A_559 = arith.constant 0 : i32
      %dma_wait3A_560 = tpu.memref_slice %arg6[%dma_wait3A_558, %dma_wait3A_559] : memref<1600x32xf32, #tpu.memory_space<vmem>> -> memref<50x32xf32, #tpu.memory_space<vmem>>
      %dma_wait3A_561 = arith.constant 0 : i32
      %dma_wait3A_562 = arith.constant 0 : i32
      %dma_wait3A_563 = tpu.memref_slice %arg4[%add3A_51, %dma_wait3A_561, %dma_wait3A_562] : memref<16384x50x32xf32, #tpu.memory_space<hbm>> -> memref<1x50x32xf32, #tpu.memory_space<hbm>>
      %dma_wait3A_564 = tpu.memref_squeeze %dma_wait3A_563 : memref<1x50x32xf32, #tpu.memory_space<hbm>> -> memref<50x32xf32, #tpu.memory_space<hbm>>
      %dma_wait3A_565 = arith.constant 0 : i32
      %dma_wait3A_566 = arith.constant 0 : i32
      %dma_wait3A_567 = tpu.memref_slice %arg4[%add3A_51, %dma_wait3A_565, %dma_wait3A_566] : memref<16384x50x32xf32, #tpu.memory_space<hbm>> -> memref<1x50x32xf32, #tpu.memory_space<hbm>>
      %dma_wait3A_568 = tpu.memref_squeeze %dma_wait3A_567 : memref<1x50x32xf32, #tpu.memory_space<hbm>> -> memref<50x32xf32, #tpu.memory_space<hbm>>
      %dma_wait3A_569 = arith.constant 100 : i32
      %dma_wait3A_570 = arith.constant 0 : i32
      %dma_wait3A_571 = tpu.memref_slice %arg6[%dma_wait3A_569, %dma_wait3A_570] : memref<1600x32xf32, #tpu.memory_space<vmem>> -> memref<50x32xf32, #tpu.memory_space<vmem>>
      tpu.wait_dma2 semaphore(%arg8 : memref<!tpu.dma_semaphore, #tpu.memory_space<semaphore_mem>>) src(%dma_wait3A_571 : memref<50x32xf32, #tpu.memory_space<vmem>>) dst(%dma_wait3A_568 : memref<50x32xf32, #tpu.memory_space<hbm>>)
      %dma_wait3A_572 = arith.constant 150 : i32
      %dma_wait3A_573 = arith.constant 0 : i32
      %dma_wait3A_574 = tpu.memref_slice %arg6[%dma_wait3A_572, %dma_wait3A_573] : memref<1600x32xf32, #tpu.memory_space<vmem>> -> memref<50x32xf32, #tpu.memory_space<vmem>>
      %dma_wait3A_575 = arith.constant 0 : i32
      %dma_wait3A_576 = arith.constant 0 : i32
      %dma_wait3A_577 = tpu.memref_slice %arg4[%add3A_67, %dma_wait3A_575, %dma_wait3A_576] : memref<16384x50x32xf32, #tpu.memory_space<hbm>> -> memref<1x50x32xf32, #tpu.memory_space<hbm>>
      %dma_wait3A_578 = tpu.memref_squeeze %dma_wait3A_577 : memref<1x50x32xf32, #tpu.memory_space<hbm>> -> memref<50x32xf32, #tpu.memory_space<hbm>>
      %dma_wait3A_579 = arith.constant 0 : i32
      %dma_wait3A_580 = arith.constant 0 : i32
      %dma_wait3A_581 = tpu.memref_slice %arg4[%add3A_67, %dma_wait3A_579, %dma_wait3A_580] : memref<16384x50x32xf32, #tpu.memory_space<hbm>> -> memref<1x50x32xf32, #tpu.memory_space<hbm>>
      %dma_wait3A_582 = tpu.memref_squeeze %dma_wait3A_581 : memref<1x50x32xf32, #tpu.memory_space<hbm>> -> memref<50x32xf32, #tpu.memory_space<hbm>>
      %dma_wait3A_583 = arith.constant 150 : i32
      %dma_wait3A_584 = arith.constant 0 : i32
      %dma_wait3A_585 = tpu.memref_slice %arg6[%dma_wait3A_583, %dma_wait3A_584] : memref<1600x32xf32, #tpu.memory_space<vmem>> -> memref<50x32xf32, #tpu.memory_space<vmem>>
      tpu.wait_dma2 semaphore(%arg8 : memref<!tpu.dma_semaphore, #tpu.memory_space<semaphore_mem>>) src(%dma_wait3A_585 : memref<50x32xf32, #tpu.memory_space<vmem>>) dst(%dma_wait3A_582 : memref<50x32xf32, #tpu.memory_space<hbm>>)
      %dma_wait3A_586 = arith.constant 200 : i32
      %dma_wait3A_587 = arith.constant 0 : i32
      %dma_wait3A_588 = tpu.memref_slice %arg6[%dma_wait3A_586, %dma_wait3A_587] : memref<1600x32xf32, #tpu.memory_space<vmem>> -> memref<50x32xf32, #tpu.memory_space<vmem>>
      %dma_wait3A_589 = arith.constant 0 : i32
      %dma_wait3A_590 = arith.constant 0 : i32
      %dma_wait3A_591 = tpu.memref_slice %arg4[%add3A_83, %dma_wait3A_589, %dma_wait3A_590] : memref<16384x50x32xf32, #tpu.memory_space<hbm>> -> memref<1x50x32xf32, #tpu.memory_space<hbm>>
      %dma_wait3A_592 = tpu.memref_squeeze %dma_wait3A_591 : memref<1x50x32xf32, #tpu.memory_space<hbm>> -> memref<50x32xf32, #tpu.memory_space<hbm>>
      %dma_wait3A_593 = arith.constant 0 : i32
      %dma_wait3A_594 = arith.constant 0 : i32
      %dma_wait3A_595 = tpu.memref_slice %arg4[%add3A_83, %dma_wait3A_593, %dma_wait3A_594] : memref<16384x50x32xf32, #tpu.memory_space<hbm>> -> memref<1x50x32xf32, #tpu.memory_space<hbm>>
      %dma_wait3A_596 = tpu.memref_squeeze %dma_wait3A_595 : memref<1x50x32xf32, #tpu.memory_space<hbm>> -> memref<50x32xf32, #tpu.memory_space<hbm>>
      %dma_wait3A_597 = arith.constant 200 : i32
      %dma_wait3A_598 = arith.constant 0 : i32
      %dma_wait3A_599 = tpu.memref_slice %arg6[%dma_wait3A_597, %dma_wait3A_598] : memref<1600x32xf32, #tpu.memory_space<vmem>> -> memref<50x32xf32, #tpu.memory_space<vmem>>
      tpu.wait_dma2 semaphore(%arg8 : memref<!tpu.dma_semaphore, #tpu.memory_space<semaphore_mem>>) src(%dma_wait3A_599 : memref<50x32xf32, #tpu.memory_space<vmem>>) dst(%dma_wait3A_596 : memref<50x32xf32, #tpu.memory_space<hbm>>)
      %dma_wait3A_600 = arith.constant 250 : i32
      %dma_wait3A_601 = arith.constant 0 : i32
      %dma_wait3A_602 = tpu.memref_slice %arg6[%dma_wait3A_600, %dma_wait3A_601] : memref<1600x32xf32, #tpu.memory_space<vmem>> -> memref<50x32xf32, #tpu.memory_space<vmem>>
      %dma_wait3A_603 = arith.constant 0 : i32
      %dma_wait3A_604 = arith.constant 0 : i32
      %dma_wait3A_605 = tpu.memref_slice %arg4[%add3A_99, %dma_wait3A_603, %dma_wait3A_604] : memref<16384x50x32xf32, #tpu.memory_space<hbm>> -> memref<1x50x32xf32, #tpu.memory_space<hbm>>
      %dma_wait3A_606 = tpu.memref_squeeze %dma_wait3A_605 : memref<1x50x32xf32, #tpu.memory_space<hbm>> -> memref<50x32xf32, #tpu.memory_space<hbm>>
      %dma_wait3A_607 = arith.constant 0 : i32
      %dma_wait3A_608 = arith.constant 0 : i32
      %dma_wait3A_609 = tpu.memref_slice %arg4[%add3A_99, %dma_wait3A_607, %dma_wait3A_608] : memref<16384x50x32xf32, #tpu.memory_space<hbm>> -> memref<1x50x32xf32, #tpu.memory_space<hbm>>
      %dma_wait3A_610 = tpu.memref_squeeze %dma_wait3A_609 : memref<1x50x32xf32, #tpu.memory_space<hbm>> -> memref<50x32xf32, #tpu.memory_space<hbm>>
      %dma_wait3A_611 = arith.constant 250 : i32
      %dma_wait3A_612 = arith.constant 0 : i32
      %dma_wait3A_613 = tpu.memref_slice %arg6[%dma_wait3A_611, %dma_wait3A_612] : memref<1600x32xf32, #tpu.memory_space<vmem>> -> memref<50x32xf32, #tpu.memory_space<vmem>>
      tpu.wait_dma2 semaphore(%arg8 : memref<!tpu.dma_semaphore, #tpu.memory_space<semaphore_mem>>) src(%dma_wait3A_613 : memref<50x32xf32, #tpu.memory_space<vmem>>) dst(%dma_wait3A_610 : memref<50x32xf32, #tpu.memory_space<hbm>>)
      %dma_wait3A_614 = arith.constant 300 : i32
      %dma_wait3A_615 = arith.constant 0 : i32
      %dma_wait3A_616 = tpu.memref_slice %arg6[%dma_wait3A_614, %dma_wait3A_615] : memref<1600x32xf32, #tpu.memory_space<vmem>> -> memref<50x32xf32, #tpu.memory_space<vmem>>
      %dma_wait3A_617 = arith.constant 0 : i32
      %dma_wait3A_618 = arith.constant 0 : i32
      %dma_wait3A_619 = tpu.memref_slice %arg4[%add3A_115, %dma_wait3A_617, %dma_wait3A_618] : memref<16384x50x32xf32, #tpu.memory_space<hbm>> -> memref<1x50x32xf32, #tpu.memory_space<hbm>>
      %dma_wait3A_620 = tpu.memref_squeeze %dma_wait3A_619 : memref<1x50x32xf32, #tpu.memory_space<hbm>> -> memref<50x32xf32, #tpu.memory_space<hbm>>
      %dma_wait3A_621 = arith.constant 0 : i32
      %dma_wait3A_622 = arith.constant 0 : i32
      %dma_wait3A_623 = tpu.memref_slice %arg4[%add3A_115, %dma_wait3A_621, %dma_wait3A_622] : memref<16384x50x32xf32, #tpu.memory_space<hbm>> -> memref<1x50x32xf32, #tpu.memory_space<hbm>>
      %dma_wait3A_624 = tpu.memref_squeeze %dma_wait3A_623 : memref<1x50x32xf32, #tpu.memory_space<hbm>> -> memref<50x32xf32, #tpu.memory_space<hbm>>
      %dma_wait3A_625 = arith.constant 300 : i32
      %dma_wait3A_626 = arith.constant 0 : i32
      %dma_wait3A_627 = tpu.memref_slice %arg6[%dma_wait3A_625, %dma_wait3A_626] : memref<1600x32xf32, #tpu.memory_space<vmem>> -> memref<50x32xf32, #tpu.memory_space<vmem>>
      tpu.wait_dma2 semaphore(%arg8 : memref<!tpu.dma_semaphore, #tpu.memory_space<semaphore_mem>>) src(%dma_wait3A_627 : memref<50x32xf32, #tpu.memory_space<vmem>>) dst(%dma_wait3A_624 : memref<50x32xf32, #tpu.memory_space<hbm>>)
      %dma_wait3A_628 = arith.constant 350 : i32
      %dma_wait3A_629 = arith.constant 0 : i32
      %dma_wait3A_630 = tpu.memref_slice %arg6[%dma_wait3A_628, %dma_wait3A_629] : memref<1600x32xf32, #tpu.memory_space<vmem>> -> memref<50x32xf32, #tpu.memory_space<vmem>>
      %dma_wait3A_631 = arith.constant 0 : i32
      %dma_wait3A_632 = arith.constant 0 : i32
      %dma_wait3A_633 = tpu.memref_slice %arg4[%add3A_131, %dma_wait3A_631, %dma_wait3A_632] : memref<16384x50x32xf32, #tpu.memory_space<hbm>> -> memref<1x50x32xf32, #tpu.memory_space<hbm>>
      %dma_wait3A_634 = tpu.memref_squeeze %dma_wait3A_633 : memref<1x50x32xf32, #tpu.memory_space<hbm>> -> memref<50x32xf32, #tpu.memory_space<hbm>>
      %dma_wait3A_635 = arith.constant 0 : i32
      %dma_wait3A_636 = arith.constant 0 : i32
      %dma_wait3A_637 = tpu.memref_slice %arg4[%add3A_131, %dma_wait3A_635, %dma_wait3A_636] : memref<16384x50x32xf32, #tpu.memory_space<hbm>> -> memref<1x50x32xf32, #tpu.memory_space<hbm>>
      %dma_wait3A_638 = tpu.memref_squeeze %dma_wait3A_637 : memref<1x50x32xf32, #tpu.memory_space<hbm>> -> memref<50x32xf32, #tpu.memory_space<hbm>>
      %dma_wait3A_639 = arith.constant 350 : i32
      %dma_wait3A_640 = arith.constant 0 : i32
      %dma_wait3A_641 = tpu.memref_slice %arg6[%dma_wait3A_639, %dma_wait3A_640] : memref<1600x32xf32, #tpu.memory_space<vmem>> -> memref<50x32xf32, #tpu.memory_space<vmem>>
      tpu.wait_dma2 semaphore(%arg8 : memref<!tpu.dma_semaphore, #tpu.memory_space<semaphore_mem>>) src(%dma_wait3A_641 : memref<50x32xf32, #tpu.memory_space<vmem>>) dst(%dma_wait3A_638 : memref<50x32xf32, #tpu.memory_space<hbm>>)
      %dma_wait3A_642 = arith.constant 400 : i32
      %dma_wait3A_643 = arith.constant 0 : i32
      %dma_wait3A_644 = tpu.memref_slice %arg6[%dma_wait3A_642, %dma_wait3A_643] : memref<1600x32xf32, #tpu.memory_space<vmem>> -> memref<50x32xf32, #tpu.memory_space<vmem>>
      %dma_wait3A_645 = arith.constant 0 : i32
      %dma_wait3A_646 = arith.constant 0 : i32
      %dma_wait3A_647 = tpu.memref_slice %arg4[%add3A_147, %dma_wait3A_645, %dma_wait3A_646] : memref<16384x50x32xf32, #tpu.memory_space<hbm>> -> memref<1x50x32xf32, #tpu.memory_space<hbm>>
      %dma_wait3A_648 = tpu.memref_squeeze %dma_wait3A_647 : memref<1x50x32xf32, #tpu.memory_space<hbm>> -> memref<50x32xf32, #tpu.memory_space<hbm>>
      %dma_wait3A_649 = arith.constant 0 : i32
      %dma_wait3A_650 = arith.constant 0 : i32
      %dma_wait3A_651 = tpu.memref_slice %arg4[%add3A_147, %dma_wait3A_649, %dma_wait3A_650] : memref<16384x50x32xf32, #tpu.memory_space<hbm>> -> memref<1x50x32xf32, #tpu.memory_space<hbm>>
      %dma_wait3A_652 = tpu.memref_squeeze %dma_wait3A_651 : memref<1x50x32xf32, #tpu.memory_space<hbm>> -> memref<50x32xf32, #tpu.memory_space<hbm>>
      %dma_wait3A_653 = arith.constant 400 : i32
      %dma_wait3A_654 = arith.constant 0 : i32
      %dma_wait3A_655 = tpu.memref_slice %arg6[%dma_wait3A_653, %dma_wait3A_654] : memref<1600x32xf32, #tpu.memory_space<vmem>> -> memref<50x32xf32, #tpu.memory_space<vmem>>
      tpu.wait_dma2 semaphore(%arg8 : memref<!tpu.dma_semaphore, #tpu.memory_space<semaphore_mem>>) src(%dma_wait3A_655 : memref<50x32xf32, #tpu.memory_space<vmem>>) dst(%dma_wait3A_652 : memref<50x32xf32, #tpu.memory_space<hbm>>)
      %dma_wait3A_656 = arith.constant 450 : i32
      %dma_wait3A_657 = arith.constant 0 : i32
      %dma_wait3A_658 = tpu.memref_slice %arg6[%dma_wait3A_656, %dma_wait3A_657] : memref<1600x32xf32, #tpu.memory_space<vmem>> -> memref<50x32xf32, #tpu.memory_space<vmem>>
      %dma_wait3A_659 = arith.constant 0 : i32
      %dma_wait3A_660 = arith.constant 0 : i32
      %dma_wait3A_661 = tpu.memref_slice %arg4[%add3A_163, %dma_wait3A_659, %dma_wait3A_660] : memref<16384x50x32xf32, #tpu.memory_space<hbm>> -> memref<1x50x32xf32, #tpu.memory_space<hbm>>
      %dma_wait3A_662 = tpu.memref_squeeze %dma_wait3A_661 : memref<1x50x32xf32, #tpu.memory_space<hbm>> -> memref<50x32xf32, #tpu.memory_space<hbm>>
      %dma_wait3A_663 = arith.constant 0 : i32
      %dma_wait3A_664 = arith.constant 0 : i32
      %dma_wait3A_665 = tpu.memref_slice %arg4[%add3A_163, %dma_wait3A_663, %dma_wait3A_664] : memref<16384x50x32xf32, #tpu.memory_space<hbm>> -> memref<1x50x32xf32, #tpu.memory_space<hbm>>
      %dma_wait3A_666 = tpu.memref_squeeze %dma_wait3A_665 : memref<1x50x32xf32, #tpu.memory_space<hbm>> -> memref<50x32xf32, #tpu.memory_space<hbm>>
      %dma_wait3A_667 = arith.constant 450 : i32
      %dma_wait3A_668 = arith.constant 0 : i32
      %dma_wait3A_669 = tpu.memref_slice %arg6[%dma_wait3A_667, %dma_wait3A_668] : memref<1600x32xf32, #tpu.memory_space<vmem>> -> memref<50x32xf32, #tpu.memory_space<vmem>>
      tpu.wait_dma2 semaphore(%arg8 : memref<!tpu.dma_semaphore, #tpu.memory_space<semaphore_mem>>) src(%dma_wait3A_669 : memref<50x32xf32, #tpu.memory_space<vmem>>) dst(%dma_wait3A_666 : memref<50x32xf32, #tpu.memory_space<hbm>>)
      %dma_wait3A_670 = arith.constant 500 : i32
      %dma_wait3A_671 = arith.constant 0 : i32
      %dma_wait3A_672 = tpu.memref_slice %arg6[%dma_wait3A_670, %dma_wait3A_671] : memref<1600x32xf32, #tpu.memory_space<vmem>> -> memref<50x32xf32, #tpu.memory_space<vmem>>
      %dma_wait3A_673 = arith.constant 0 : i32
      %dma_wait3A_674 = arith.constant 0 : i32
      %dma_wait3A_675 = tpu.memref_slice %arg4[%add3A_179, %dma_wait3A_673, %dma_wait3A_674] : memref<16384x50x32xf32, #tpu.memory_space<hbm>> -> memref<1x50x32xf32, #tpu.memory_space<hbm>>
      %dma_wait3A_676 = tpu.memref_squeeze %dma_wait3A_675 : memref<1x50x32xf32, #tpu.memory_space<hbm>> -> memref<50x32xf32, #tpu.memory_space<hbm>>
      %dma_wait3A_677 = arith.constant 0 : i32
      %dma_wait3A_678 = arith.constant 0 : i32
      %dma_wait3A_679 = tpu.memref_slice %arg4[%add3A_179, %dma_wait3A_677, %dma_wait3A_678] : memref<16384x50x32xf32, #tpu.memory_space<hbm>> -> memref<1x50x32xf32, #tpu.memory_space<hbm>>
      %dma_wait3A_680 = tpu.memref_squeeze %dma_wait3A_679 : memref<1x50x32xf32, #tpu.memory_space<hbm>> -> memref<50x32xf32, #tpu.memory_space<hbm>>
      %dma_wait3A_681 = arith.constant 500 : i32
      %dma_wait3A_682 = arith.constant 0 : i32
      %dma_wait3A_683 = tpu.memref_slice %arg6[%dma_wait3A_681, %dma_wait3A_682] : memref<1600x32xf32, #tpu.memory_space<vmem>> -> memref<50x32xf32, #tpu.memory_space<vmem>>
      tpu.wait_dma2 semaphore(%arg8 : memref<!tpu.dma_semaphore, #tpu.memory_space<semaphore_mem>>) src(%dma_wait3A_683 : memref<50x32xf32, #tpu.memory_space<vmem>>) dst(%dma_wait3A_680 : memref<50x32xf32, #tpu.memory_space<hbm>>)
      %dma_wait3A_684 = arith.constant 550 : i32
      %dma_wait3A_685 = arith.constant 0 : i32
      %dma_wait3A_686 = tpu.memref_slice %arg6[%dma_wait3A_684, %dma_wait3A_685] : memref<1600x32xf32, #tpu.memory_space<vmem>> -> memref<50x32xf32, #tpu.memory_space<vmem>>
      %dma_wait3A_687 = arith.constant 0 : i32
      %dma_wait3A_688 = arith.constant 0 : i32
      %dma_wait3A_689 = tpu.memref_slice %arg4[%add3A_195, %dma_wait3A_687, %dma_wait3A_688] : memref<16384x50x32xf32, #tpu.memory_space<hbm>> -> memref<1x50x32xf32, #tpu.memory_space<hbm>>
      %dma_wait3A_690 = tpu.memref_squeeze %dma_wait3A_689 : memref<1x50x32xf32, #tpu.memory_space<hbm>> -> memref<50x32xf32, #tpu.memory_space<hbm>>
      %dma_wait3A_691 = arith.constant 0 : i32
      %dma_wait3A_692 = arith.constant 0 : i32
      %dma_wait3A_693 = tpu.memref_slice %arg4[%add3A_195, %dma_wait3A_691, %dma_wait3A_692] : memref<16384x50x32xf32, #tpu.memory_space<hbm>> -> memref<1x50x32xf32, #tpu.memory_space<hbm>>
      %dma_wait3A_694 = tpu.memref_squeeze %dma_wait3A_693 : memref<1x50x32xf32, #tpu.memory_space<hbm>> -> memref<50x32xf32, #tpu.memory_space<hbm>>
      %dma_wait3A_695 = arith.constant 550 : i32
      %dma_wait3A_696 = arith.constant 0 : i32
      %dma_wait3A_697 = tpu.memref_slice %arg6[%dma_wait3A_695, %dma_wait3A_696] : memref<1600x32xf32, #tpu.memory_space<vmem>> -> memref<50x32xf32, #tpu.memory_space<vmem>>
      tpu.wait_dma2 semaphore(%arg8 : memref<!tpu.dma_semaphore, #tpu.memory_space<semaphore_mem>>) src(%dma_wait3A_697 : memref<50x32xf32, #tpu.memory_space<vmem>>) dst(%dma_wait3A_694 : memref<50x32xf32, #tpu.memory_space<hbm>>)
      %dma_wait3A_698 = arith.constant 600 : i32
      %dma_wait3A_699 = arith.constant 0 : i32
      %dma_wait3A_700 = tpu.memref_slice %arg6[%dma_wait3A_698, %dma_wait3A_699] : memref<1600x32xf32, #tpu.memory_space<vmem>> -> memref<50x32xf32, #tpu.memory_space<vmem>>
      %dma_wait3A_701 = arith.constant 0 : i32
      %dma_wait3A_702 = arith.constant 0 : i32
      %dma_wait3A_703 = tpu.memref_slice %arg4[%add3A_211, %dma_wait3A_701, %dma_wait3A_702] : memref<16384x50x32xf32, #tpu.memory_space<hbm>> -> memref<1x50x32xf32, #tpu.memory_space<hbm>>
      %dma_wait3A_704 = tpu.memref_squeeze %dma_wait3A_703 : memref<1x50x32xf32, #tpu.memory_space<hbm>> -> memref<50x32xf32, #tpu.memory_space<hbm>>
      %dma_wait3A_705 = arith.constant 0 : i32
      %dma_wait3A_706 = arith.constant 0 : i32
      %dma_wait3A_707 = tpu.memref_slice %arg4[%add3A_211, %dma_wait3A_705, %dma_wait3A_706] : memref<16384x50x32xf32, #tpu.memory_space<hbm>> -> memref<1x50x32xf32, #tpu.memory_space<hbm>>
      %dma_wait3A_708 = tpu.memref_squeeze %dma_wait3A_707 : memref<1x50x32xf32, #tpu.memory_space<hbm>> -> memref<50x32xf32, #tpu.memory_space<hbm>>
      %dma_wait3A_709 = arith.constant 600 : i32
      %dma_wait3A_710 = arith.constant 0 : i32
      %dma_wait3A_711 = tpu.memref_slice %arg6[%dma_wait3A_709, %dma_wait3A_710] : memref<1600x32xf32, #tpu.memory_space<vmem>> -> memref<50x32xf32, #tpu.memory_space<vmem>>
      tpu.wait_dma2 semaphore(%arg8 : memref<!tpu.dma_semaphore, #tpu.memory_space<semaphore_mem>>) src(%dma_wait3A_711 : memref<50x32xf32, #tpu.memory_space<vmem>>) dst(%dma_wait3A_708 : memref<50x32xf32, #tpu.memory_space<hbm>>)
      %dma_wait3A_712 = arith.constant 650 : i32
      %dma_wait3A_713 = arith.constant 0 : i32
      %dma_wait3A_714 = tpu.memref_slice %arg6[%dma_wait3A_712, %dma_wait3A_713] : memref<1600x32xf32, #tpu.memory_space<vmem>> -> memref<50x32xf32, #tpu.memory_space<vmem>>
      %dma_wait3A_715 = arith.constant 0 : i32
      %dma_wait3A_716 = arith.constant 0 : i32
      %dma_wait3A_717 = tpu.memref_slice %arg4[%add3A_227, %dma_wait3A_715, %dma_wait3A_716] : memref<16384x50x32xf32, #tpu.memory_space<hbm>> -> memref<1x50x32xf32, #tpu.memory_space<hbm>>
      %dma_wait3A_718 = tpu.memref_squeeze %dma_wait3A_717 : memref<1x50x32xf32, #tpu.memory_space<hbm>> -> memref<50x32xf32, #tpu.memory_space<hbm>>
      %dma_wait3A_719 = arith.constant 0 : i32
      %dma_wait3A_720 = arith.constant 0 : i32
      %dma_wait3A_721 = tpu.memref_slice %arg4[%add3A_227, %dma_wait3A_719, %dma_wait3A_720] : memref<16384x50x32xf32, #tpu.memory_space<hbm>> -> memref<1x50x32xf32, #tpu.memory_space<hbm>>
      %dma_wait3A_722 = tpu.memref_squeeze %dma_wait3A_721 : memref<1x50x32xf32, #tpu.memory_space<hbm>> -> memref<50x32xf32, #tpu.memory_space<hbm>>
      %dma_wait3A_723 = arith.constant 650 : i32
      %dma_wait3A_724 = arith.constant 0 : i32
      %dma_wait3A_725 = tpu.memref_slice %arg6[%dma_wait3A_723, %dma_wait3A_724] : memref<1600x32xf32, #tpu.memory_space<vmem>> -> memref<50x32xf32, #tpu.memory_space<vmem>>
      tpu.wait_dma2 semaphore(%arg8 : memref<!tpu.dma_semaphore, #tpu.memory_space<semaphore_mem>>) src(%dma_wait3A_725 : memref<50x32xf32, #tpu.memory_space<vmem>>) dst(%dma_wait3A_722 : memref<50x32xf32, #tpu.memory_space<hbm>>)
      %dma_wait3A_726 = arith.constant 700 : i32
      %dma_wait3A_727 = arith.constant 0 : i32
      %dma_wait3A_728 = tpu.memref_slice %arg6[%dma_wait3A_726, %dma_wait3A_727] : memref<1600x32xf32, #tpu.memory_space<vmem>> -> memref<50x32xf32, #tpu.memory_space<vmem>>
      %dma_wait3A_729 = arith.constant 0 : i32
      %dma_wait3A_730 = arith.constant 0 : i32
      %dma_wait3A_731 = tpu.memref_slice %arg4[%add3A_243, %dma_wait3A_729, %dma_wait3A_730] : memref<16384x50x32xf32, #tpu.memory_space<hbm>> -> memref<1x50x32xf32, #tpu.memory_space<hbm>>
      %dma_wait3A_732 = tpu.memref_squeeze %dma_wait3A_731 : memref<1x50x32xf32, #tpu.memory_space<hbm>> -> memref<50x32xf32, #tpu.memory_space<hbm>>
      %dma_wait3A_733 = arith.constant 0 : i32
      %dma_wait3A_734 = arith.constant 0 : i32
      %dma_wait3A_735 = tpu.memref_slice %arg4[%add3A_243, %dma_wait3A_733, %dma_wait3A_734] : memref<16384x50x32xf32, #tpu.memory_space<hbm>> -> memref<1x50x32xf32, #tpu.memory_space<hbm>>
      %dma_wait3A_736 = tpu.memref_squeeze %dma_wait3A_735 : memref<1x50x32xf32, #tpu.memory_space<hbm>> -> memref<50x32xf32, #tpu.memory_space<hbm>>
      %dma_wait3A_737 = arith.constant 700 : i32
      %dma_wait3A_738 = arith.constant 0 : i32
      %dma_wait3A_739 = tpu.memref_slice %arg6[%dma_wait3A_737, %dma_wait3A_738] : memref<1600x32xf32, #tpu.memory_space<vmem>> -> memref<50x32xf32, #tpu.memory_space<vmem>>
      tpu.wait_dma2 semaphore(%arg8 : memref<!tpu.dma_semaphore, #tpu.memory_space<semaphore_mem>>) src(%dma_wait3A_739 : memref<50x32xf32, #tpu.memory_space<vmem>>) dst(%dma_wait3A_736 : memref<50x32xf32, #tpu.memory_space<hbm>>)
      %dma_wait3A_740 = arith.constant 750 : i32
      %dma_wait3A_741 = arith.constant 0 : i32
      %dma_wait3A_742 = tpu.memref_slice %arg6[%dma_wait3A_740, %dma_wait3A_741] : memref<1600x32xf32, #tpu.memory_space<vmem>> -> memref<50x32xf32, #tpu.memory_space<vmem>>
      %dma_wait3A_743 = arith.constant 0 : i32
      %dma_wait3A_744 = arith.constant 0 : i32
      %dma_wait3A_745 = tpu.memref_slice %arg4[%add3A_259, %dma_wait3A_743, %dma_wait3A_744] : memref<16384x50x32xf32, #tpu.memory_space<hbm>> -> memref<1x50x32xf32, #tpu.memory_space<hbm>>
      %dma_wait3A_746 = tpu.memref_squeeze %dma_wait3A_745 : memref<1x50x32xf32, #tpu.memory_space<hbm>> -> memref<50x32xf32, #tpu.memory_space<hbm>>
      %dma_wait3A_747 = arith.constant 0 : i32
      %dma_wait3A_748 = arith.constant 0 : i32
      %dma_wait3A_749 = tpu.memref_slice %arg4[%add3A_259, %dma_wait3A_747, %dma_wait3A_748] : memref<16384x50x32xf32, #tpu.memory_space<hbm>> -> memref<1x50x32xf32, #tpu.memory_space<hbm>>
      %dma_wait3A_750 = tpu.memref_squeeze %dma_wait3A_749 : memref<1x50x32xf32, #tpu.memory_space<hbm>> -> memref<50x32xf32, #tpu.memory_space<hbm>>
      %dma_wait3A_751 = arith.constant 750 : i32
      %dma_wait3A_752 = arith.constant 0 : i32
      %dma_wait3A_753 = tpu.memref_slice %arg6[%dma_wait3A_751, %dma_wait3A_752] : memref<1600x32xf32, #tpu.memory_space<vmem>> -> memref<50x32xf32, #tpu.memory_space<vmem>>
      tpu.wait_dma2 semaphore(%arg8 : memref<!tpu.dma_semaphore, #tpu.memory_space<semaphore_mem>>) src(%dma_wait3A_753 : memref<50x32xf32, #tpu.memory_space<vmem>>) dst(%dma_wait3A_750 : memref<50x32xf32, #tpu.memory_space<hbm>>)
      %dma_wait3A_754 = arith.constant 800 : i32
      %dma_wait3A_755 = arith.constant 0 : i32
      %dma_wait3A_756 = tpu.memref_slice %arg6[%dma_wait3A_754, %dma_wait3A_755] : memref<1600x32xf32, #tpu.memory_space<vmem>> -> memref<50x32xf32, #tpu.memory_space<vmem>>
      %dma_wait3A_757 = arith.constant 0 : i32
      %dma_wait3A_758 = arith.constant 0 : i32
      %dma_wait3A_759 = tpu.memref_slice %arg4[%add3A_275, %dma_wait3A_757, %dma_wait3A_758] : memref<16384x50x32xf32, #tpu.memory_space<hbm>> -> memref<1x50x32xf32, #tpu.memory_space<hbm>>
      %dma_wait3A_760 = tpu.memref_squeeze %dma_wait3A_759 : memref<1x50x32xf32, #tpu.memory_space<hbm>> -> memref<50x32xf32, #tpu.memory_space<hbm>>
      %dma_wait3A_761 = arith.constant 0 : i32
      %dma_wait3A_762 = arith.constant 0 : i32
      %dma_wait3A_763 = tpu.memref_slice %arg4[%add3A_275, %dma_wait3A_761, %dma_wait3A_762] : memref<16384x50x32xf32, #tpu.memory_space<hbm>> -> memref<1x50x32xf32, #tpu.memory_space<hbm>>
      %dma_wait3A_764 = tpu.memref_squeeze %dma_wait3A_763 : memref<1x50x32xf32, #tpu.memory_space<hbm>> -> memref<50x32xf32, #tpu.memory_space<hbm>>
      %dma_wait3A_765 = arith.constant 800 : i32
      %dma_wait3A_766 = arith.constant 0 : i32
      %dma_wait3A_767 = tpu.memref_slice %arg6[%dma_wait3A_765, %dma_wait3A_766] : memref<1600x32xf32, #tpu.memory_space<vmem>> -> memref<50x32xf32, #tpu.memory_space<vmem>>
      tpu.wait_dma2 semaphore(%arg8 : memref<!tpu.dma_semaphore, #tpu.memory_space<semaphore_mem>>) src(%dma_wait3A_767 : memref<50x32xf32, #tpu.memory_space<vmem>>) dst(%dma_wait3A_764 : memref<50x32xf32, #tpu.memory_space<hbm>>)
      %dma_wait3A_768 = arith.constant 850 : i32
      %dma_wait3A_769 = arith.constant 0 : i32
      %dma_wait3A_770 = tpu.memref_slice %arg6[%dma_wait3A_768, %dma_wait3A_769] : memref<1600x32xf32, #tpu.memory_space<vmem>> -> memref<50x32xf32, #tpu.memory_space<vmem>>
      %dma_wait3A_771 = arith.constant 0 : i32
      %dma_wait3A_772 = arith.constant 0 : i32
      %dma_wait3A_773 = tpu.memref_slice %arg4[%add3A_291, %dma_wait3A_771, %dma_wait3A_772] : memref<16384x50x32xf32, #tpu.memory_space<hbm>> -> memref<1x50x32xf32, #tpu.memory_space<hbm>>
      %dma_wait3A_774 = tpu.memref_squeeze %dma_wait3A_773 : memref<1x50x32xf32, #tpu.memory_space<hbm>> -> memref<50x32xf32, #tpu.memory_space<hbm>>
      %dma_wait3A_775 = arith.constant 0 : i32
      %dma_wait3A_776 = arith.constant 0 : i32
      %dma_wait3A_777 = tpu.memref_slice %arg4[%add3A_291, %dma_wait3A_775, %dma_wait3A_776] : memref<16384x50x32xf32, #tpu.memory_space<hbm>> -> memref<1x50x32xf32, #tpu.memory_space<hbm>>
      %dma_wait3A_778 = tpu.memref_squeeze %dma_wait3A_777 : memref<1x50x32xf32, #tpu.memory_space<hbm>> -> memref<50x32xf32, #tpu.memory_space<hbm>>
      %dma_wait3A_779 = arith.constant 850 : i32
      %dma_wait3A_780 = arith.constant 0 : i32
      %dma_wait3A_781 = tpu.memref_slice %arg6[%dma_wait3A_779, %dma_wait3A_780] : memref<1600x32xf32, #tpu.memory_space<vmem>> -> memref<50x32xf32, #tpu.memory_space<vmem>>
      tpu.wait_dma2 semaphore(%arg8 : memref<!tpu.dma_semaphore, #tpu.memory_space<semaphore_mem>>) src(%dma_wait3A_781 : memref<50x32xf32, #tpu.memory_space<vmem>>) dst(%dma_wait3A_778 : memref<50x32xf32, #tpu.memory_space<hbm>>)
      %dma_wait3A_782 = arith.constant 900 : i32
      %dma_wait3A_783 = arith.constant 0 : i32
      %dma_wait3A_784 = tpu.memref_slice %arg6[%dma_wait3A_782, %dma_wait3A_783] : memref<1600x32xf32, #tpu.memory_space<vmem>> -> memref<50x32xf32, #tpu.memory_space<vmem>>
      %dma_wait3A_785 = arith.constant 0 : i32
      %dma_wait3A_786 = arith.constant 0 : i32
      %dma_wait3A_787 = tpu.memref_slice %arg4[%add3A_307, %dma_wait3A_785, %dma_wait3A_786] : memref<16384x50x32xf32, #tpu.memory_space<hbm>> -> memref<1x50x32xf32, #tpu.memory_space<hbm>>
      %dma_wait3A_788 = tpu.memref_squeeze %dma_wait3A_787 : memref<1x50x32xf32, #tpu.memory_space<hbm>> -> memref<50x32xf32, #tpu.memory_space<hbm>>
      %dma_wait3A_789 = arith.constant 0 : i32
      %dma_wait3A_790 = arith.constant 0 : i32
      %dma_wait3A_791 = tpu.memref_slice %arg4[%add3A_307, %dma_wait3A_789, %dma_wait3A_790] : memref<16384x50x32xf32, #tpu.memory_space<hbm>> -> memref<1x50x32xf32, #tpu.memory_space<hbm>>
      %dma_wait3A_792 = tpu.memref_squeeze %dma_wait3A_791 : memref<1x50x32xf32, #tpu.memory_space<hbm>> -> memref<50x32xf32, #tpu.memory_space<hbm>>
      %dma_wait3A_793 = arith.constant 900 : i32
      %dma_wait3A_794 = arith.constant 0 : i32
      %dma_wait3A_795 = tpu.memref_slice %arg6[%dma_wait3A_793, %dma_wait3A_794] : memref<1600x32xf32, #tpu.memory_space<vmem>> -> memref<50x32xf32, #tpu.memory_space<vmem>>
      tpu.wait_dma2 semaphore(%arg8 : memref<!tpu.dma_semaphore, #tpu.memory_space<semaphore_mem>>) src(%dma_wait3A_795 : memref<50x32xf32, #tpu.memory_space<vmem>>) dst(%dma_wait3A_792 : memref<50x32xf32, #tpu.memory_space<hbm>>)
      %dma_wait3A_796 = arith.constant 950 : i32
      %dma_wait3A_797 = arith.constant 0 : i32
      %dma_wait3A_798 = tpu.memref_slice %arg6[%dma_wait3A_796, %dma_wait3A_797] : memref<1600x32xf32, #tpu.memory_space<vmem>> -> memref<50x32xf32, #tpu.memory_space<vmem>>
      %dma_wait3A_799 = arith.constant 0 : i32
      %dma_wait3A_800 = arith.constant 0 : i32
      %dma_wait3A_801 = tpu.memref_slice %arg4[%add3A_323, %dma_wait3A_799, %dma_wait3A_800] : memref<16384x50x32xf32, #tpu.memory_space<hbm>> -> memref<1x50x32xf32, #tpu.memory_space<hbm>>
      %dma_wait3A_802 = tpu.memref_squeeze %dma_wait3A_801 : memref<1x50x32xf32, #tpu.memory_space<hbm>> -> memref<50x32xf32, #tpu.memory_space<hbm>>
      %dma_wait3A_803 = arith.constant 0 : i32
      %dma_wait3A_804 = arith.constant 0 : i32
      %dma_wait3A_805 = tpu.memref_slice %arg4[%add3A_323, %dma_wait3A_803, %dma_wait3A_804] : memref<16384x50x32xf32, #tpu.memory_space<hbm>> -> memref<1x50x32xf32, #tpu.memory_space<hbm>>
      %dma_wait3A_806 = tpu.memref_squeeze %dma_wait3A_805 : memref<1x50x32xf32, #tpu.memory_space<hbm>> -> memref<50x32xf32, #tpu.memory_space<hbm>>
      %dma_wait3A_807 = arith.constant 950 : i32
      %dma_wait3A_808 = arith.constant 0 : i32
      %dma_wait3A_809 = tpu.memref_slice %arg6[%dma_wait3A_807, %dma_wait3A_808] : memref<1600x32xf32, #tpu.memory_space<vmem>> -> memref<50x32xf32, #tpu.memory_space<vmem>>
      tpu.wait_dma2 semaphore(%arg8 : memref<!tpu.dma_semaphore, #tpu.memory_space<semaphore_mem>>) src(%dma_wait3A_809 : memref<50x32xf32, #tpu.memory_space<vmem>>) dst(%dma_wait3A_806 : memref<50x32xf32, #tpu.memory_space<hbm>>)
      %dma_wait3A_810 = arith.constant 1000 : i32
      %dma_wait3A_811 = arith.constant 0 : i32
      %dma_wait3A_812 = tpu.memref_slice %arg6[%dma_wait3A_810, %dma_wait3A_811] : memref<1600x32xf32, #tpu.memory_space<vmem>> -> memref<50x32xf32, #tpu.memory_space<vmem>>
      %dma_wait3A_813 = arith.constant 0 : i32
      %dma_wait3A_814 = arith.constant 0 : i32
      %dma_wait3A_815 = tpu.memref_slice %arg4[%add3A_339, %dma_wait3A_813, %dma_wait3A_814] : memref<16384x50x32xf32, #tpu.memory_space<hbm>> -> memref<1x50x32xf32, #tpu.memory_space<hbm>>
      %dma_wait3A_816 = tpu.memref_squeeze %dma_wait3A_815 : memref<1x50x32xf32, #tpu.memory_space<hbm>> -> memref<50x32xf32, #tpu.memory_space<hbm>>
      %dma_wait3A_817 = arith.constant 0 : i32
      %dma_wait3A_818 = arith.constant 0 : i32
      %dma_wait3A_819 = tpu.memref_slice %arg4[%add3A_339, %dma_wait3A_817, %dma_wait3A_818] : memref<16384x50x32xf32, #tpu.memory_space<hbm>> -> memref<1x50x32xf32, #tpu.memory_space<hbm>>
      %dma_wait3A_820 = tpu.memref_squeeze %dma_wait3A_819 : memref<1x50x32xf32, #tpu.memory_space<hbm>> -> memref<50x32xf32, #tpu.memory_space<hbm>>
      %dma_wait3A_821 = arith.constant 1000 : i32
      %dma_wait3A_822 = arith.constant 0 : i32
      %dma_wait3A_823 = tpu.memref_slice %arg6[%dma_wait3A_821, %dma_wait3A_822] : memref<1600x32xf32, #tpu.memory_space<vmem>> -> memref<50x32xf32, #tpu.memory_space<vmem>>
      tpu.wait_dma2 semaphore(%arg8 : memref<!tpu.dma_semaphore, #tpu.memory_space<semaphore_mem>>) src(%dma_wait3A_823 : memref<50x32xf32, #tpu.memory_space<vmem>>) dst(%dma_wait3A_820 : memref<50x32xf32, #tpu.memory_space<hbm>>)
      %dma_wait3A_824 = arith.constant 1050 : i32
      %dma_wait3A_825 = arith.constant 0 : i32
      %dma_wait3A_826 = tpu.memref_slice %arg6[%dma_wait3A_824, %dma_wait3A_825] : memref<1600x32xf32, #tpu.memory_space<vmem>> -> memref<50x32xf32, #tpu.memory_space<vmem>>
      %dma_wait3A_827 = arith.constant 0 : i32
      %dma_wait3A_828 = arith.constant 0 : i32
      %dma_wait3A_829 = tpu.memref_slice %arg4[%add3A_355, %dma_wait3A_827, %dma_wait3A_828] : memref<16384x50x32xf32, #tpu.memory_space<hbm>> -> memref<1x50x32xf32, #tpu.memory_space<hbm>>
      %dma_wait3A_830 = tpu.memref_squeeze %dma_wait3A_829 : memref<1x50x32xf32, #tpu.memory_space<hbm>> -> memref<50x32xf32, #tpu.memory_space<hbm>>
      %dma_wait3A_831 = arith.constant 0 : i32
      %dma_wait3A_832 = arith.constant 0 : i32
      %dma_wait3A_833 = tpu.memref_slice %arg4[%add3A_355, %dma_wait3A_831, %dma_wait3A_832] : memref<16384x50x32xf32, #tpu.memory_space<hbm>> -> memref<1x50x32xf32, #tpu.memory_space<hbm>>
      %dma_wait3A_834 = tpu.memref_squeeze %dma_wait3A_833 : memref<1x50x32xf32, #tpu.memory_space<hbm>> -> memref<50x32xf32, #tpu.memory_space<hbm>>
      %dma_wait3A_835 = arith.constant 1050 : i32
      %dma_wait3A_836 = arith.constant 0 : i32
      %dma_wait3A_837 = tpu.memref_slice %arg6[%dma_wait3A_835, %dma_wait3A_836] : memref<1600x32xf32, #tpu.memory_space<vmem>> -> memref<50x32xf32, #tpu.memory_space<vmem>>
      tpu.wait_dma2 semaphore(%arg8 : memref<!tpu.dma_semaphore, #tpu.memory_space<semaphore_mem>>) src(%dma_wait3A_837 : memref<50x32xf32, #tpu.memory_space<vmem>>) dst(%dma_wait3A_834 : memref<50x32xf32, #tpu.memory_space<hbm>>)
      %dma_wait3A_838 = arith.constant 1100 : i32
      %dma_wait3A_839 = arith.constant 0 : i32
      %dma_wait3A_840 = tpu.memref_slice %arg6[%dma_wait3A_838, %dma_wait3A_839] : memref<1600x32xf32, #tpu.memory_space<vmem>> -> memref<50x32xf32, #tpu.memory_space<vmem>>
      %dma_wait3A_841 = arith.constant 0 : i32
      %dma_wait3A_842 = arith.constant 0 : i32
      %dma_wait3A_843 = tpu.memref_slice %arg4[%add3A_371, %dma_wait3A_841, %dma_wait3A_842] : memref<16384x50x32xf32, #tpu.memory_space<hbm>> -> memref<1x50x32xf32, #tpu.memory_space<hbm>>
      %dma_wait3A_844 = tpu.memref_squeeze %dma_wait3A_843 : memref<1x50x32xf32, #tpu.memory_space<hbm>> -> memref<50x32xf32, #tpu.memory_space<hbm>>
      %dma_wait3A_845 = arith.constant 0 : i32
      %dma_wait3A_846 = arith.constant 0 : i32
      %dma_wait3A_847 = tpu.memref_slice %arg4[%add3A_371, %dma_wait3A_845, %dma_wait3A_846] : memref<16384x50x32xf32, #tpu.memory_space<hbm>> -> memref<1x50x32xf32, #tpu.memory_space<hbm>>
      %dma_wait3A_848 = tpu.memref_squeeze %dma_wait3A_847 : memref<1x50x32xf32, #tpu.memory_space<hbm>> -> memref<50x32xf32, #tpu.memory_space<hbm>>
      %dma_wait3A_849 = arith.constant 1100 : i32
      %dma_wait3A_850 = arith.constant 0 : i32
      %dma_wait3A_851 = tpu.memref_slice %arg6[%dma_wait3A_849, %dma_wait3A_850] : memref<1600x32xf32, #tpu.memory_space<vmem>> -> memref<50x32xf32, #tpu.memory_space<vmem>>
      tpu.wait_dma2 semaphore(%arg8 : memref<!tpu.dma_semaphore, #tpu.memory_space<semaphore_mem>>) src(%dma_wait3A_851 : memref<50x32xf32, #tpu.memory_space<vmem>>) dst(%dma_wait3A_848 : memref<50x32xf32, #tpu.memory_space<hbm>>)
      %dma_wait3A_852 = arith.constant 1150 : i32
      %dma_wait3A_853 = arith.constant 0 : i32
      %dma_wait3A_854 = tpu.memref_slice %arg6[%dma_wait3A_852, %dma_wait3A_853] : memref<1600x32xf32, #tpu.memory_space<vmem>> -> memref<50x32xf32, #tpu.memory_space<vmem>>
      %dma_wait3A_855 = arith.constant 0 : i32
      %dma_wait3A_856 = arith.constant 0 : i32
      %dma_wait3A_857 = tpu.memref_slice %arg4[%add3A_387, %dma_wait3A_855, %dma_wait3A_856] : memref<16384x50x32xf32, #tpu.memory_space<hbm>> -> memref<1x50x32xf32, #tpu.memory_space<hbm>>
      %dma_wait3A_858 = tpu.memref_squeeze %dma_wait3A_857 : memref<1x50x32xf32, #tpu.memory_space<hbm>> -> memref<50x32xf32, #tpu.memory_space<hbm>>
      %dma_wait3A_859 = arith.constant 0 : i32
      %dma_wait3A_860 = arith.constant 0 : i32
      %dma_wait3A_861 = tpu.memref_slice %arg4[%add3A_387, %dma_wait3A_859, %dma_wait3A_860] : memref<16384x50x32xf32, #tpu.memory_space<hbm>> -> memref<1x50x32xf32, #tpu.memory_space<hbm>>
      %dma_wait3A_862 = tpu.memref_squeeze %dma_wait3A_861 : memref<1x50x32xf32, #tpu.memory_space<hbm>> -> memref<50x32xf32, #tpu.memory_space<hbm>>
      %dma_wait3A_863 = arith.constant 1150 : i32
      %dma_wait3A_864 = arith.constant 0 : i32
      %dma_wait3A_865 = tpu.memref_slice %arg6[%dma_wait3A_863, %dma_wait3A_864] : memref<1600x32xf32, #tpu.memory_space<vmem>> -> memref<50x32xf32, #tpu.memory_space<vmem>>
      tpu.wait_dma2 semaphore(%arg8 : memref<!tpu.dma_semaphore, #tpu.memory_space<semaphore_mem>>) src(%dma_wait3A_865 : memref<50x32xf32, #tpu.memory_space<vmem>>) dst(%dma_wait3A_862 : memref<50x32xf32, #tpu.memory_space<hbm>>)
      %dma_wait3A_866 = arith.constant 1200 : i32
      %dma_wait3A_867 = arith.constant 0 : i32
      %dma_wait3A_868 = tpu.memref_slice %arg6[%dma_wait3A_866, %dma_wait3A_867] : memref<1600x32xf32, #tpu.memory_space<vmem>> -> memref<50x32xf32, #tpu.memory_space<vmem>>
      %dma_wait3A_869 = arith.constant 0 : i32
      %dma_wait3A_870 = arith.constant 0 : i32
      %dma_wait3A_871 = tpu.memref_slice %arg4[%add3A_403, %dma_wait3A_869, %dma_wait3A_870] : memref<16384x50x32xf32, #tpu.memory_space<hbm>> -> memref<1x50x32xf32, #tpu.memory_space<hbm>>
      %dma_wait3A_872 = tpu.memref_squeeze %dma_wait3A_871 : memref<1x50x32xf32, #tpu.memory_space<hbm>> -> memref<50x32xf32, #tpu.memory_space<hbm>>
      %dma_wait3A_873 = arith.constant 0 : i32
      %dma_wait3A_874 = arith.constant 0 : i32
      %dma_wait3A_875 = tpu.memref_slice %arg4[%add3A_403, %dma_wait3A_873, %dma_wait3A_874] : memref<16384x50x32xf32, #tpu.memory_space<hbm>> -> memref<1x50x32xf32, #tpu.memory_space<hbm>>
      %dma_wait3A_876 = tpu.memref_squeeze %dma_wait3A_875 : memref<1x50x32xf32, #tpu.memory_space<hbm>> -> memref<50x32xf32, #tpu.memory_space<hbm>>
      %dma_wait3A_877 = arith.constant 1200 : i32
      %dma_wait3A_878 = arith.constant 0 : i32
      %dma_wait3A_879 = tpu.memref_slice %arg6[%dma_wait3A_877, %dma_wait3A_878] : memref<1600x32xf32, #tpu.memory_space<vmem>> -> memref<50x32xf32, #tpu.memory_space<vmem>>
      tpu.wait_dma2 semaphore(%arg8 : memref<!tpu.dma_semaphore, #tpu.memory_space<semaphore_mem>>) src(%dma_wait3A_879 : memref<50x32xf32, #tpu.memory_space<vmem>>) dst(%dma_wait3A_876 : memref<50x32xf32, #tpu.memory_space<hbm>>)
      %dma_wait3A_880 = arith.constant 1250 : i32
      %dma_wait3A_881 = arith.constant 0 : i32
      %dma_wait3A_882 = tpu.memref_slice %arg6[%dma_wait3A_880, %dma_wait3A_881] : memref<1600x32xf32, #tpu.memory_space<vmem>> -> memref<50x32xf32, #tpu.memory_space<vmem>>
      %dma_wait3A_883 = arith.constant 0 : i32
      %dma_wait3A_884 = arith.constant 0 : i32
      %dma_wait3A_885 = tpu.memref_slice %arg4[%add3A_419, %dma_wait3A_883, %dma_wait3A_884] : memref<16384x50x32xf32, #tpu.memory_space<hbm>> -> memref<1x50x32xf32, #tpu.memory_space<hbm>>
      %dma_wait3A_886 = tpu.memref_squeeze %dma_wait3A_885 : memref<1x50x32xf32, #tpu.memory_space<hbm>> -> memref<50x32xf32, #tpu.memory_space<hbm>>
      %dma_wait3A_887 = arith.constant 0 : i32
      %dma_wait3A_888 = arith.constant 0 : i32
      %dma_wait3A_889 = tpu.memref_slice %arg4[%add3A_419, %dma_wait3A_887, %dma_wait3A_888] : memref<16384x50x32xf32, #tpu.memory_space<hbm>> -> memref<1x50x32xf32, #tpu.memory_space<hbm>>
      %dma_wait3A_890 = tpu.memref_squeeze %dma_wait3A_889 : memref<1x50x32xf32, #tpu.memory_space<hbm>> -> memref<50x32xf32, #tpu.memory_space<hbm>>
      %dma_wait3A_891 = arith.constant 1250 : i32
      %dma_wait3A_892 = arith.constant 0 : i32
      %dma_wait3A_893 = tpu.memref_slice %arg6[%dma_wait3A_891, %dma_wait3A_892] : memref<1600x32xf32, #tpu.memory_space<vmem>> -> memref<50x32xf32, #tpu.memory_space<vmem>>
      tpu.wait_dma2 semaphore(%arg8 : memref<!tpu.dma_semaphore, #tpu.memory_space<semaphore_mem>>) src(%dma_wait3A_893 : memref<50x32xf32, #tpu.memory_space<vmem>>) dst(%dma_wait3A_890 : memref<50x32xf32, #tpu.memory_space<hbm>>)
      %dma_wait3A_894 = arith.constant 1300 : i32
      %dma_wait3A_895 = arith.constant 0 : i32
      %dma_wait3A_896 = tpu.memref_slice %arg6[%dma_wait3A_894, %dma_wait3A_895] : memref<1600x32xf32, #tpu.memory_space<vmem>> -> memref<50x32xf32, #tpu.memory_space<vmem>>
      %dma_wait3A_897 = arith.constant 0 : i32
      %dma_wait3A_898 = arith.constant 0 : i32
      %dma_wait3A_899 = tpu.memref_slice %arg4[%add3A_435, %dma_wait3A_897, %dma_wait3A_898] : memref<16384x50x32xf32, #tpu.memory_space<hbm>> -> memref<1x50x32xf32, #tpu.memory_space<hbm>>
      %dma_wait3A_900 = tpu.memref_squeeze %dma_wait3A_899 : memref<1x50x32xf32, #tpu.memory_space<hbm>> -> memref<50x32xf32, #tpu.memory_space<hbm>>
      %dma_wait3A_901 = arith.constant 0 : i32
      %dma_wait3A_902 = arith.constant 0 : i32
      %dma_wait3A_903 = tpu.memref_slice %arg4[%add3A_435, %dma_wait3A_901, %dma_wait3A_902] : memref<16384x50x32xf32, #tpu.memory_space<hbm>> -> memref<1x50x32xf32, #tpu.memory_space<hbm>>
      %dma_wait3A_904 = tpu.memref_squeeze %dma_wait3A_903 : memref<1x50x32xf32, #tpu.memory_space<hbm>> -> memref<50x32xf32, #tpu.memory_space<hbm>>
      %dma_wait3A_905 = arith.constant 1300 : i32
      %dma_wait3A_906 = arith.constant 0 : i32
      %dma_wait3A_907 = tpu.memref_slice %arg6[%dma_wait3A_905, %dma_wait3A_906] : memref<1600x32xf32, #tpu.memory_space<vmem>> -> memref<50x32xf32, #tpu.memory_space<vmem>>
      tpu.wait_dma2 semaphore(%arg8 : memref<!tpu.dma_semaphore, #tpu.memory_space<semaphore_mem>>) src(%dma_wait3A_907 : memref<50x32xf32, #tpu.memory_space<vmem>>) dst(%dma_wait3A_904 : memref<50x32xf32, #tpu.memory_space<hbm>>)
      %dma_wait3A_908 = arith.constant 1350 : i32
      %dma_wait3A_909 = arith.constant 0 : i32
      %dma_wait3A_910 = tpu.memref_slice %arg6[%dma_wait3A_908, %dma_wait3A_909] : memref<1600x32xf32, #tpu.memory_space<vmem>> -> memref<50x32xf32, #tpu.memory_space<vmem>>
      %dma_wait3A_911 = arith.constant 0 : i32
      %dma_wait3A_912 = arith.constant 0 : i32
      %dma_wait3A_913 = tpu.memref_slice %arg4[%add3A_451, %dma_wait3A_911, %dma_wait3A_912] : memref<16384x50x32xf32, #tpu.memory_space<hbm>> -> memref<1x50x32xf32, #tpu.memory_space<hbm>>
      %dma_wait3A_914 = tpu.memref_squeeze %dma_wait3A_913 : memref<1x50x32xf32, #tpu.memory_space<hbm>> -> memref<50x32xf32, #tpu.memory_space<hbm>>
      %dma_wait3A_915 = arith.constant 0 : i32
      %dma_wait3A_916 = arith.constant 0 : i32
      %dma_wait3A_917 = tpu.memref_slice %arg4[%add3A_451, %dma_wait3A_915, %dma_wait3A_916] : memref<16384x50x32xf32, #tpu.memory_space<hbm>> -> memref<1x50x32xf32, #tpu.memory_space<hbm>>
      %dma_wait3A_918 = tpu.memref_squeeze %dma_wait3A_917 : memref<1x50x32xf32, #tpu.memory_space<hbm>> -> memref<50x32xf32, #tpu.memory_space<hbm>>
      %dma_wait3A_919 = arith.constant 1350 : i32
      %dma_wait3A_920 = arith.constant 0 : i32
      %dma_wait3A_921 = tpu.memref_slice %arg6[%dma_wait3A_919, %dma_wait3A_920] : memref<1600x32xf32, #tpu.memory_space<vmem>> -> memref<50x32xf32, #tpu.memory_space<vmem>>
      tpu.wait_dma2 semaphore(%arg8 : memref<!tpu.dma_semaphore, #tpu.memory_space<semaphore_mem>>) src(%dma_wait3A_921 : memref<50x32xf32, #tpu.memory_space<vmem>>) dst(%dma_wait3A_918 : memref<50x32xf32, #tpu.memory_space<hbm>>)
      %dma_wait3A_922 = arith.constant 1400 : i32
      %dma_wait3A_923 = arith.constant 0 : i32
      %dma_wait3A_924 = tpu.memref_slice %arg6[%dma_wait3A_922, %dma_wait3A_923] : memref<1600x32xf32, #tpu.memory_space<vmem>> -> memref<50x32xf32, #tpu.memory_space<vmem>>
      %dma_wait3A_925 = arith.constant 0 : i32
      %dma_wait3A_926 = arith.constant 0 : i32
      %dma_wait3A_927 = tpu.memref_slice %arg4[%add3A_467, %dma_wait3A_925, %dma_wait3A_926] : memref<16384x50x32xf32, #tpu.memory_space<hbm>> -> memref<1x50x32xf32, #tpu.memory_space<hbm>>
      %dma_wait3A_928 = tpu.memref_squeeze %dma_wait3A_927 : memref<1x50x32xf32, #tpu.memory_space<hbm>> -> memref<50x32xf32, #tpu.memory_space<hbm>>
      %dma_wait3A_929 = arith.constant 0 : i32
      %dma_wait3A_930 = arith.constant 0 : i32
      %dma_wait3A_931 = tpu.memref_slice %arg4[%add3A_467, %dma_wait3A_929, %dma_wait3A_930] : memref<16384x50x32xf32, #tpu.memory_space<hbm>> -> memref<1x50x32xf32, #tpu.memory_space<hbm>>
      %dma_wait3A_932 = tpu.memref_squeeze %dma_wait3A_931 : memref<1x50x32xf32, #tpu.memory_space<hbm>> -> memref<50x32xf32, #tpu.memory_space<hbm>>
      %dma_wait3A_933 = arith.constant 1400 : i32
      %dma_wait3A_934 = arith.constant 0 : i32
      %dma_wait3A_935 = tpu.memref_slice %arg6[%dma_wait3A_933, %dma_wait3A_934] : memref<1600x32xf32, #tpu.memory_space<vmem>> -> memref<50x32xf32, #tpu.memory_space<vmem>>
      tpu.wait_dma2 semaphore(%arg8 : memref<!tpu.dma_semaphore, #tpu.memory_space<semaphore_mem>>) src(%dma_wait3A_935 : memref<50x32xf32, #tpu.memory_space<vmem>>) dst(%dma_wait3A_932 : memref<50x32xf32, #tpu.memory_space<hbm>>)
      %dma_wait3A_936 = arith.constant 1450 : i32
      %dma_wait3A_937 = arith.constant 0 : i32
      %dma_wait3A_938 = tpu.memref_slice %arg6[%dma_wait3A_936, %dma_wait3A_937] : memref<1600x32xf32, #tpu.memory_space<vmem>> -> memref<50x32xf32, #tpu.memory_space<vmem>>
      %dma_wait3A_939 = arith.constant 0 : i32
      %dma_wait3A_940 = arith.constant 0 : i32
      %dma_wait3A_941 = tpu.memref_slice %arg4[%add3A_483, %dma_wait3A_939, %dma_wait3A_940] : memref<16384x50x32xf32, #tpu.memory_space<hbm>> -> memref<1x50x32xf32, #tpu.memory_space<hbm>>
      %dma_wait3A_942 = tpu.memref_squeeze %dma_wait3A_941 : memref<1x50x32xf32, #tpu.memory_space<hbm>> -> memref<50x32xf32, #tpu.memory_space<hbm>>
      %dma_wait3A_943 = arith.constant 0 : i32
      %dma_wait3A_944 = arith.constant 0 : i32
      %dma_wait3A_945 = tpu.memref_slice %arg4[%add3A_483, %dma_wait3A_943, %dma_wait3A_944] : memref<16384x50x32xf32, #tpu.memory_space<hbm>> -> memref<1x50x32xf32, #tpu.memory_space<hbm>>
      %dma_wait3A_946 = tpu.memref_squeeze %dma_wait3A_945 : memref<1x50x32xf32, #tpu.memory_space<hbm>> -> memref<50x32xf32, #tpu.memory_space<hbm>>
      %dma_wait3A_947 = arith.constant 1450 : i32
      %dma_wait3A_948 = arith.constant 0 : i32
      %dma_wait3A_949 = tpu.memref_slice %arg6[%dma_wait3A_947, %dma_wait3A_948] : memref<1600x32xf32, #tpu.memory_space<vmem>> -> memref<50x32xf32, #tpu.memory_space<vmem>>
      tpu.wait_dma2 semaphore(%arg8 : memref<!tpu.dma_semaphore, #tpu.memory_space<semaphore_mem>>) src(%dma_wait3A_949 : memref<50x32xf32, #tpu.memory_space<vmem>>) dst(%dma_wait3A_946 : memref<50x32xf32, #tpu.memory_space<hbm>>)
      %dma_wait3A_950 = arith.constant 1500 : i32
      %dma_wait3A_951 = arith.constant 0 : i32
      %dma_wait3A_952 = tpu.memref_slice %arg6[%dma_wait3A_950, %dma_wait3A_951] : memref<1600x32xf32, #tpu.memory_space<vmem>> -> memref<50x32xf32, #tpu.memory_space<vmem>>
      %dma_wait3A_953 = arith.constant 0 : i32
      %dma_wait3A_954 = arith.constant 0 : i32
      %dma_wait3A_955 = tpu.memref_slice %arg4[%add3A_499, %dma_wait3A_953, %dma_wait3A_954] : memref<16384x50x32xf32, #tpu.memory_space<hbm>> -> memref<1x50x32xf32, #tpu.memory_space<hbm>>
      %dma_wait3A_956 = tpu.memref_squeeze %dma_wait3A_955 : memref<1x50x32xf32, #tpu.memory_space<hbm>> -> memref<50x32xf32, #tpu.memory_space<hbm>>
      %dma_wait3A_957 = arith.constant 0 : i32
      %dma_wait3A_958 = arith.constant 0 : i32
      %dma_wait3A_959 = tpu.memref_slice %arg4[%add3A_499, %dma_wait3A_957, %dma_wait3A_958] : memref<16384x50x32xf32, #tpu.memory_space<hbm>> -> memref<1x50x32xf32, #tpu.memory_space<hbm>>
      %dma_wait3A_960 = tpu.memref_squeeze %dma_wait3A_959 : memref<1x50x32xf32, #tpu.memory_space<hbm>> -> memref<50x32xf32, #tpu.memory_space<hbm>>
      %dma_wait3A_961 = arith.constant 1500 : i32
      %dma_wait3A_962 = arith.constant 0 : i32
      %dma_wait3A_963 = tpu.memref_slice %arg6[%dma_wait3A_961, %dma_wait3A_962] : memref<1600x32xf32, #tpu.memory_space<vmem>> -> memref<50x32xf32, #tpu.memory_space<vmem>>
      tpu.wait_dma2 semaphore(%arg8 : memref<!tpu.dma_semaphore, #tpu.memory_space<semaphore_mem>>) src(%dma_wait3A_963 : memref<50x32xf32, #tpu.memory_space<vmem>>) dst(%dma_wait3A_960 : memref<50x32xf32, #tpu.memory_space<hbm>>)
      %dma_wait3A_964 = arith.constant 1550 : i32
      %dma_wait3A_965 = arith.constant 0 : i32
      %dma_wait3A_966 = tpu.memref_slice %arg6[%dma_wait3A_964, %dma_wait3A_965] : memref<1600x32xf32, #tpu.memory_space<vmem>> -> memref<50x32xf32, #tpu.memory_space<vmem>>
      %dma_wait3A_967 = arith.constant 0 : i32
      %dma_wait3A_968 = arith.constant 0 : i32
      %dma_wait3A_969 = tpu.memref_slice %arg4[%add3A_515, %dma_wait3A_967, %dma_wait3A_968] : memref<16384x50x32xf32, #tpu.memory_space<hbm>> -> memref<1x50x32xf32, #tpu.memory_space<hbm>>
      %dma_wait3A_970 = tpu.memref_squeeze %dma_wait3A_969 : memref<1x50x32xf32, #tpu.memory_space<hbm>> -> memref<50x32xf32, #tpu.memory_space<hbm>>
      %dma_wait3A_971 = arith.constant 0 : i32
      %dma_wait3A_972 = arith.constant 0 : i32
      %dma_wait3A_973 = tpu.memref_slice %arg4[%add3A_515, %dma_wait3A_971, %dma_wait3A_972] : memref<16384x50x32xf32, #tpu.memory_space<hbm>> -> memref<1x50x32xf32, #tpu.memory_space<hbm>>
      %dma_wait3A_974 = tpu.memref_squeeze %dma_wait3A_973 : memref<1x50x32xf32, #tpu.memory_space<hbm>> -> memref<50x32xf32, #tpu.memory_space<hbm>>
      %dma_wait3A_975 = arith.constant 1550 : i32
      %dma_wait3A_976 = arith.constant 0 : i32
      %dma_wait3A_977 = tpu.memref_slice %arg6[%dma_wait3A_975, %dma_wait3A_976] : memref<1600x32xf32, #tpu.memory_space<vmem>> -> memref<50x32xf32, #tpu.memory_space<vmem>>
      tpu.wait_dma2 semaphore(%arg8 : memref<!tpu.dma_semaphore, #tpu.memory_space<semaphore_mem>>) src(%dma_wait3A_977 : memref<50x32xf32, #tpu.memory_space<vmem>>) dst(%dma_wait3A_974 : memref<50x32xf32, #tpu.memory_space<hbm>>)
    }
    %scan3A_7 = arith.constant 16 : i32
    return
  }
}

</mosaic_0001>

<sc_bundles>
// kernel: kernel.3.cloned.1.call-start
scs
__scs_entry_jumppad:
0x0: {  	(pc) =	sbr.rel $0x88, $3  }
0x1: {  	(tag) =	ssettag $0x0;
	lr =	simm.s32 $0x1  }
0x2: {  	[smem:$0x3F9F] =	sst lr;
	_ =	strace $0xD0000000  }
0x3: {  	_ = 	snop  }
0x4: {  	_ = 	snop  }
0x5: {  	_ = 	snop  }
0x6: {  	_ = 	snop  }
0x7: {  	_ = 	snop  }
__scs_overlays_trampoline_lowered:
0x8: {  	[smem:$0x3FAE] =	sst s0  }
0x9: {  	[smem:$0x3FAF] =	sst s1  }
0xa: {  	[smem:$0x3FB0] =	sst s2  }
0xb: {  	[smem:$0x3FB1] =	sst s3  }
0xc: {  	[smem:$0x3FB2] =	sst s4  }
0xd: {  	[smem:$0x3FB3] =	sst s5  }
0xe: {  	[smem:$0x3FB4] =	sst s6  }
0xf: {  	[smem:$0x3FB5] =	sst s7  }
0x10: {  	[smem:$0x3FB6] =	sst s8  }
0x11: {  	[smem:$0x3FB7] =	sst s9;
	s0 =	simm.s32 @!p0 $0x0  }
0x12: {  	s1 =	sld [smem:$0x3F9D];
	s0 =	simm.s32 @p0 $0x1  }
0x13: {  	[smem:$0x3FB8] =	sst s0;
	s0 =	simm.s32 @!p1 $0x0  }
0x14: {  	s2 =	sld [smem:$0x3F9C];
	s0 =	simm.s32 @p1 $0x1  }
0x15: {  	[smem:$0x3FB9] =	sst s0;
	s0 =	simm.s32 @!p2 $0x0  }
0x16: {  	s3 =	sld [smem:$0x3FDB];
	s0 =	simm.s32 @p2 $0x1  }
0x17: {  	s4 =	simm.s32 $0x1BF5;
	[smem:$0x3FBB] =	sst s0  }
0x18: {  	s0 =	sld [smem:$0x3F9E];
	_ =	swait.ge [sflag:s4], $0x0  }
0x19: {  	s7 =	sld [smem:$0x3F9F]  }
0x1a: {  	s8 =	sadd.s32 $0xFFFFE003, lr  }
0x1b: {  	s9 =	sadd.s32 $0xFFFFFEF7, lr;
	s5 =	simm.s32 $0xFFFFFFFF;
	p2 =	slt.u32 s8, $0xFFFFF086  }
0x1c: {  	p1 =	slt.u32 s9, $0xF7A;
	s5 =	simm.s32 @!p2 $0x0  }
0x1d: {  	s5 =	simm.s32 @p1 $0x1;
	p0 =	seq.s32 s7, s2  }
0x1e: {  	s7 =	smul.u32 @!p0 $0xF7A, s2;
	p2 =	seq.s32 @!p0 s5, $0x0  }
0x1f: {  	s9 =	smul.u32 $0xF7A, s1;
	s8 =	simm.s32 @!p0 $0x1BF5;
	p2 =	por !p2, p0  }
0x20: {  	[sflag:s8] =	ssyncset.s32 @!p0 $0xFFFFF086;
	s6 =	sadd.s32 @!p0 s3, s7;
	s7 =	simm.s32 @!p0 $0x108  }
0x21: {  	s3 =	sadd.s32 s3, s9;
	s6 =	sadd.s32 @!p0 $0x88, s6;
	s7 =	simm.s32 @p2 $0x1082  }
0x22: {  	[simem:s7], [sflag:s8] =	dma.local @!p0 [hbm:s6], $0xF7A  }
0x23: {  	s9 =	sor.u32 $0xD0000000, s2;
	s6 =	simm.s32 $0x108;
	_ =	swait.ge @!p0 [sflag:s8], $0x0  }
0x24: {  	s3 =	sadd.s32 $0x88, s3;
	s6 =	simm.s32 @!p1 $0x1082;
	[sflag:s4] =	ssyncset.s32 $0xFFFFF086  }
0x25: {  	[simem:s6], [sflag:s4] =	dma.local [hbm:s3], $0xF7A  }
0x26: {  	[smem:$0x3F9F] =	sst s1;
	(tag) =	ssettag s2;
	_ =	strace s9  }
0x27: {  	s1 =	sld [smem:$0x3FAF]  }
0x28: {  	s2 =	sld [smem:$0x3FB0]  }
0x29: {  	s4 =	sld [smem:$0x3FB2]  }
0x2a: {  	p0 =	seq.s32 s5, $0x0;
	s5 =	sld [smem:$0x3FB3]  }
0x2b: {  	s6 =	sld [smem:$0x3FB4]  }
0x2c: {  	s7 =	sld [smem:$0x3FB5]  }
0x2d: {  	s3 =	simm.s32 $0x108;
	s8 =	sld [smem:$0x3FB6]  }
0x2e: {  	s3 =	simm.s32 @!p0 $0x1082;
	s9 =	sld [smem:$0x3FB7]  }
0x2f: {  	lr =	sadd.s32 s0, s3;
	s0 =	sld [smem:$0x3FAE]  }
0x30: {  	s3 =	sld [smem:$0x3FB1]  }
0x31: {  	[smem:$0x3FBA] =	sst s10  }
0x32: {  	s10 =	sld [smem:$0x3FB8];
	_ =	sdelay $0x3  }
0x33: {  	p0 =	seq.s32 s10, $0x1;
	s10 =	sld [smem:$0x3FBA];
	_ =	sdelay $0x3  }
0x34: {  	[smem:$0x3FBA] =	sst s10  }
0x35: {  	s10 =	sld [smem:$0x3FB9];
	_ =	sdelay $0x3  }
0x36: {  	p1 =	seq.s32 s10, $0x1;
	s10 =	sld [smem:$0x3FBA];
	_ =	sdelay $0x3  }
0x37: {  	[smem:$0x3FBA] =	sst s10  }
0x38: {  	s10 =	sld [smem:$0x3FBB]  }
0x39: {  	_ = 	snop;
	(pc) =	sbr.ind lr, $3  }
0x3a: {  	_ = 	snop  }
0x3b: {  	_ = 	snop  }
0x3c: {  	p2 =	seq.s32 s10, $0x1;
	s10 =	sld [smem:$0x3FBA]  }
0x3d: {  	_ =	shalt  }
0x3e: {  	_ =	shalt  }
0x3f: {  	_ =	shalt  }
0x40: {  	_ =	shalt  }
0x41: {  	_ =	shalt  }
0x42: {  	_ =	shalt  }
0x43: {  	_ =	shalt  }
0x44: {  	_ =	shalt  }
0x45: {  	_ =	shalt  }
0x46: {  	_ =	shalt  }
0x47: {  	_ =	shalt  }
0x48: {  	_ =	shalt  }
0x49: {  	_ =	shalt  }
0x4a: {  	_ =	shalt  }
0x4b: {  	_ =	shalt  }
0x4c: {  	_ =	shalt  }
0x4d: {  	_ =	shalt  }
0x4e: {  	_ =	shalt  }
0x4f: {  	_ =	shalt  }
0x50: {  	_ =	shalt  }
0x51: {  	_ =	shalt  }
0x52: {  	_ =	shalt  }
0x53: {  	_ =	shalt  }
0x54: {  	_ =	shalt  }
0x55: {  	_ =	shalt  }
0x56: {  	_ =	shalt  }
0x57: {  	_ =	shalt  }
0x58: {  	_ =	shalt  }
0x59: {  	_ =	shalt  }
0x5a: {  	_ =	shalt  }
0x5b: {  	_ =	shalt  }
0x5c: {  	_ =	shalt  }
0x5d: {  	_ =	shalt  }
0x5e: {  	_ =	shalt  }
0x5f: {  	_ =	shalt  }
0x60: {  	_ =	shalt  }
0x61: {  	_ =	shalt  }
0x62: {  	_ =	shalt  }
0x63: {  	_ =	shalt  }
0x64: {  	_ =	shalt  }
0x65: {  	_ =	shalt  }
0x66: {  	_ =	shalt  }
0x67: {  	_ =	shalt  }
0x68: {  	_ =	shalt  }
0x69: {  	_ =	shalt  }
0x6a: {  	_ =	shalt  }
0x6b: {  	_ =	shalt  }
0x6c: {  	_ =	shalt  }
0x6d: {  	_ =	shalt  }
0x6e: {  	_ =	shalt  }
0x6f: {  	_ =	shalt  }
0x70: {  	_ =	shalt  }
0x71: {  	_ =	shalt  }
0x72: {  	_ =	shalt  }
0x73: {  	_ =	shalt  }
0x74: {  	_ =	shalt  }
0x75: {  	_ =	shalt  }
0x76: {  	_ =	shalt  }
0x77: {  	_ =	shalt  }
0x78: {  	_ =	shalt  }
0x79: {  	_ =	shalt  }
0x7a: {  	_ =	shalt  }
0x7b: {  	_ =	shalt  }
0x7c: {  	_ =	shalt  }
0x7d: {  	_ =	shalt  }
0x7e: {  	_ =	shalt  }
0x7f: {  	_ =	shalt  }
0x80: {  	_ =	shalt  }
0x81: {  	_ =	shalt  }
0x82: {  	_ =	shalt  }
0x83: {  	_ =	shalt  }
0x84: {  	_ =	shalt  }
0x85: {  	_ =	shalt  }
0x86: {  	_ =	shalt  }
0x87: {  	_ =	shalt  }
.Lfunc_end0:
.L_simem_size_0:
called_computation.1_lowered:
.L_overlay_start_0:
0x88: {  	s2 =	sld [smem:$0x3FD9]  }
0x89: {  	s3 =	sld [smem:$0x3FFE];
	_ =	sdelay $0x1  }
0x8a: {  	s1 =	srdreg.scid  }
0x8b: {  	s0 =	sand.u32 $0x1, s1  }
0x8c: {  	s17 =	sshll.u32 s0, $0xA;
	s2 =	sadd.s32 s3, s2  }
0x8d: {  	s2 =	sadd.s32 s2, s17  }
0x8e: {  	[smem:$0x3FC6] =	sst s2  }
0x8f: {  	_ = 	snop  }
0x90: {  	s2 =	sld [smem:$0x3FD0];
	(tm) =	ssettm $0x1  }
0x91: {  	s18 =	sld [smem:$0x3FFB];
	_ =	sdelay $0x3  }
0x92: {  	_ =	strace s18  }
0x93: {  	s3 =	sld [smem:$0x3FFC];
	_ =	sdelay $0x3  }
0x94: {  	_ =	strace s3  }
0x95: {  	s3 =	sld [smem:$0x3FFD];
	_ =	sdelay $0x3  }
0x96: {  	_ =	strace s3  }
0x97: {  	_ =	strace $0x8FFFFFFF  }
0x98: {  	s19 =	sld [smem:$0x3FDB];
	_ =	sdelay $0x1  }
0x99: {  	s4 =	simm.s32 $_scs_section_size  }
0x9a: {  	s5 =	simm.s32 $_size__tile_overlayer_lowered;
	s6 =	simm.s32 $_tile_overlayer_lowered  }
0x9b: {  	s22 =	simm.s32 $0x1BFF;
	s21 =	sshll.u32 s6, $0x1;
	s3 =	sadd.s32 s4, s19  }
0x9c: {  	s7 =	simm.s32 $0x0;
	s20 =	sshll.u32 s5, $0x1;
	s5 =	sadd.s32 s21, s3  }
0x9d: {  	[timem:s7], [sflag:s22] =	dma.local [hbm:s5], s20  }
0x9e: {  	_ =	swait.ge [sflag:s22], s20  }
0x9f: {  	s4 =	ssub.s32 $0x0, s20;
	[sflag:s22] =	ssyncset.done $0x0  }
0xa0: {  	[sflag:s22] =	ssyncadd.s32 s4;
	_ =	sdelay $0x1  }
0xa1: {  	s23 =	simm.s32 $0x1B8B  }
0xa2: {  	_ =	swait.ge [sflag:s23], $0x1  }
0xa3: {  	[sflag:s23] =	ssyncset.done $0x0  }
0xa4: {  	s25 =	simm.s32 $0x1B8E;
	s24 =	sld [smem:$0x3FFE];
	[sflag:s23] =	ssyncadd.s32 $0xFFFFFFFF  }
0xa5: {  	s26 =	simm.s32 $execute0_lowered;
	[smem:$0x3FD2] =	sst s25  }
0xa6: {  	s5 =	sshll.u32 s26, $0x1;
	_ =	strace $0x80000046;
	[dreg:$0x1] =	wrdreg $0xFFFFFFFF  }
0xa7: {  	s28 =	simm.s32 $_size_execute0_lowered;
	s3 =	sadd.s32 s3, s5;
	[dreg:$0x0] =	wrdreg $0x0  }
0xa8: {  	s5 =	sshll.u32 s28, $0x1;
	[dreg:$0x2] =	wrdreg s3  }
0xa9: {  	[dreg:$0x3] =	wrdreg s5  }
0xaa: {  	[dreg:$0x4] =	wrdreg $0xC0  }
0xab: {  	_ =	task [dreg:s7], $0x5FFFF  }
0xac: {  	[dreg:$0x1] =	wrdreg $0xFFFFFFFF  }
0xad: {  	[dreg:$0x0] =	wrdreg $0x60  }
0xae: {  	[dreg:$0x2] =	wrdreg s24  }
0xaf: {  	[dreg:$0x3] =	wrdreg s2  }
0xb0: {  	[dreg:$0x4] =	wrdreg $0x9  }
0xb1: {  	_ =	task.clear_ibuf [dreg:s7], $0x5FFFF;
	_ =	strace $0x90000046  }
0xb2: {  	s29 =	simm.s32 $0x9;
	_ =	strace $0x80000048  }
0xb3: {  	_ =	swait.ge [sflag:s29], $0x1  }
0xb4: {  	[sflag:s29] =	ssyncadd.s32 $0xFFFFFFFF  }
0xb5: {  	_ =	strace $0x90000048  }
0xb6: {  	_ =	sfence  }
0xb7: {  	s30 =	sld [smem:$0x0];
	_ =	sdelay $0x2  }
0xb8: {  	s31 =	sshll.u32 s1, $0xD;
	s1 =	sshrl.u32 s1, $0x2  }
0xb9: {  	s3 =	sand.u32 $0x4000, s31;
	s1 =	sadd.s32 s1, s30  }
0xba: {  	s0 =	sor.u32 s3, s0;
	s1 =	sshll.u32 s1, $0x11  }
0xbb: {  	s0 =	sor.u32 s1, s0  }
0xbc: {  	s0 =	sadd.s32 $0x8F2B, s0  }
0xbd: {  	[sflag:s0] =	ssyncadd.remote.s32 $0x1  }
0xbe: {  	_ =	sfence.sel $0xFFFF  }
0xbf: {  	[dreg:$0x0] =	wrdreg $0xFFFFFFFF;
	(pc) =	sbr.abs _section_cstart, $3  }
0xc0: {  	[dreg:$0x1] =	wrdreg $0xFFFFFFFF  }
0xc1: {  	_ =	task.clear_ibuf [dreg:s7], $0x2FFFF;
	_ =	strace $0x9FFFFFFF  }
0xc2: {  	(tm) =	ssettm $0x7FFFFFFF  }
0xc3: {  	_ =	shalt  }
tec
execute0_lowered:
.L_overlay_start_1:
0x0: {  	(tag) =	ssettag $0x1  }
0x1: {  	s0 =	srdreg.scid;
	s8 =	stileid.u32  }
0x2: {  	s3 =	sand.u32 $0x1, s0;
	s22 =	smul.u32 $0x190000, s8  }
0x3: {  	s4 =	rddreg [dreg:$0x0];
	s1 =	smul.u32 $0xC8000, s3  }
0x4: {  	s5 =	rddreg [dreg:$0x1];
	s2 =	simm.s32 $0x0  }
0x5: {  	[smem:$0x7FF] =	sst s2;
	s23 =	sadd.s32 $0x1A800, s4;
	s6 =	sadd.s32 s1, s22  }
0x6: {  	_ =	strace $0x80000047;
	[dreg:$0x3] =	wrdreg s23;
	s0 =	sadd.s32 $0xC1C0, s6  }
0x7: {  	s24 =	sadd.s32 $0xBB80, s6;
	s26 =	sadd.s32 $0xB540, s6;
	s7 =	sadd.s32 $0xAF00, s6  }
0x8: {  	s31 =	sadd.s32 $0xA8C0, s6;
	s9 =	sadd.s32 $0x9C40, s6;
	s13 =	sadd.s32 $0x9600, s6  }
0x9: {  	s15 =	sadd.s32 $0x8FC0, s6;
	s16 =	sadd.s32 $0x8980, s6;
	s20 =	sadd.s32 $0x8340, s6  }
0xa: {  	s22 =	sor.u32 $0x7D00, s6;
	s23 =	sor.u32 $0x76C0, s6;
	s0 =	sshrl.u32 s0, $0x3  }
0xb: {  	s25 =	sshrl.u32 s24, $0x3;
	s1 =	sshrl.u32 s26, $0x3;
	s29 =	sshrl.u32 s7, $0x3  }
0xc: {  	s7 =	sadd.s32 $0xA280, s6;
	s11 =	sshrl.u32 s9, $0x3;
	s14 =	sshrl.u32 s13, $0x3  }
0xd: {  	s18 =	sshrl.u32 s16, $0x3;
	s21 =	sshrl.u32 s20, $0x3;
	s13 =	sor.u32 $0x5780, s6  }
0xe: {  	s20 =	sor.u32 $0x44C0, s6;
	s0 =	sadd.s32 s0, s5;
	s28 =	sadd.s32 s1, s5  }
0xf: {  	s30 =	sadd.s32 s29, s5;
	s1 =	sshrl.u32 s31, $0x3;
	[dreg:$0x4] =	wrdreg s0  }
0x10: {  	s12 =	sadd.s32 s11, s5;
	s19 =	sadd.s32 s18, s5;
	[dreg:$0x6] =	wrdreg s28  }
0x11: {  	s31 =	sor.u32 $0x6400, s6;
	s11 =	sor.u32 $0x5DC0, s6;
	[dreg:$0x7] =	wrdreg s30  }
0x12: {  	s18 =	sor.u32 $0x4B00, s6;
	s0 =	sadd.s32 s25, s5;
	[dreg:$0xa] =	wrdreg s12  }
0x13: {  	[dreg:$0xd] =	wrdreg s19;
	s25 =	sshrl.u32 s23, $0x3;
	s28 =	sor.u32 $0x7080, s6  }
0x14: {  	s30 =	sor.u32 $0x6A40, s6;
	s9 =	sshrl.u32 s31, $0x3;
	s12 =	sshrl.u32 s11, $0x3  }
0x15: {  	s19 =	sshrl.u32 s18, $0x3;
	s11 =	sor.u32 $0x1F40, s6;
	s18 =	smul.u32 $0x32000, s8  }
0x16: {  	[dreg:$0x5] =	wrdreg s0;
	s0 =	sadd.s32 s1, s5;
	s1 =	sshrl.u32 s7, $0x3  }
0x17: {  	s26 =	sadd.s32 s25, s5;
	s29 =	sshrl.u32 s28, $0x3;
	[dreg:$0x8] =	wrdreg s0  }
0x18: {  	s25 =	sor.u32 $0x3840, s6;
	s10 =	sadd.s32 s1, s5;
	[dreg:$0x10] =	wrdreg s26  }
0x19: {  	s0 =	sadd.s32 s14, s5;
	s1 =	sshrl.u32 s15, $0x3;
	[dreg:$0x9] =	wrdreg s10  }
0x1a: {  	s26 =	sshrl.u32 s25, $0x3;
	s25 =	simm.s32 $0x1900;
	[dreg:$0xb] =	wrdreg s0  }
0x1b: {  	s14 =	sor.u32 $0x5140, s6;
	s17 =	sadd.s32 s1, s5;
	[smem:$0x7DF] =	sst s25  }
0x1c: {  	s0 =	sadd.s32 s21, s5;
	s1 =	sshrl.u32 s22, $0x3;
	[dreg:$0xc] =	wrdreg s17  }
0x1d: {  	s10 =	sadd.s32 s9, s5;
	s16 =	sshrl.u32 s14, $0x3;
	[dreg:$0xe] =	wrdreg s0  }
0x1e: {  	s21 =	sor.u32 $0x3E80, s6;
	s25 =	simm.s32 $0xA8C0;
	[dreg:$0x13] =	wrdreg s10  }
0x1f: {  	s9 =	sor.u32 $0x2580, s6;
	s24 =	sadd.s32 s1, s5;
	[smem:$0x7F7] =	sst s25  }
0x20: {  	s0 =	sadd.s32 s29, s5;
	s1 =	sshrl.u32 s30, $0x3;
	[dreg:$0xf] =	wrdreg s24  }
0x21: {  	s17 =	sadd.s32 s16, s5;
	s23 =	sshrl.u32 s21, $0x3;
	[dreg:$0x11] =	wrdreg s0  }
0x22: {  	s10 =	sshrl.u32 s9, $0x3;
	s9 =	simm.s32 $0x5780;
	[dreg:$0x16] =	wrdreg s17  }
0x23: {  	s21 =	sadd.s32 s18, s5;
	s18 =	simm.s32 $0x8340;
	[smem:$0x7E9] =	sst s9  }
0x24: {  	s28 =	sor.u32 $0x3200, s6;
	s1 =	sadd.s32 s1, s5;
	[smem:$0x7F0] =	sst s18  }
0x25: {  	s29 =	sor.u32 $0x2BC0, s6;
	s0 =	sadd.s32 s12, s5;
	[dreg:$0x12] =	wrdreg s1  }
0x26: {  	s16 =	sor.u32 $0x12C0, s6;
	s24 =	sadd.s32 s23, s5;
	[dreg:$0x14] =	wrdreg s0  }
0x27: {  	s31 =	sshrl.u32 s29, $0x3;
	s23 =	simm.s32 $0xC80;
	[dreg:$0x19] =	wrdreg s24  }
0x28: {  	s12 =	sor.u32 $0x1900, s6;
	s29 =	simm.s32 $0x2BC0;
	[smem:$0x7DD] =	sst s23  }
0x29: {  	s17 =	sor.u32 $0xC80, s6;
	s6 =	simm.s32 $0x4B00;
	[smem:$0x7E2] =	sst s29  }
0x2a: {  	s0 =	sadd.s32 s19, s5;
	[smem:$0x7E7] =	sst s6  }
0x2b: {  	s7 =	sadd.s32 s31, s5;
	[dreg:$0x17] =	wrdreg s0  }
0x2c: {  	s24 =	simm.s32 $0x12C0;
	[dreg:$0x1c] =	wrdreg s7  }
0x2d: {  	s31 =	simm.s32 $0x3840;
	[smem:$0x7DE] =	sst s24  }
0x2e: {  	s14 =	sshrl.u32 s12, $0x3;
	s12 =	simm.s32 $0x6A40;
	[smem:$0x7E4] =	sst s31  }
0x2f: {  	s1 =	sshrl.u32 s13, $0x3;
	s29 =	simm.s32 $0xBB80;
	[smem:$0x7EC] =	sst s12  }
0x30: {  	s15 =	sadd.s32 s1, s5;
	[smem:$0x7FB] =	sst s29  }
0x31: {  	s0 =	sadd.s32 s26, s5;
	[dreg:$0x15] =	wrdreg s15  }
0x32: {  	s26 =	simm.s32 $0x1F40;
	[dreg:$0x1a] =	wrdreg s0  }
0x33: {  	s7 =	simm.s32 $0x5140;
	[smem:$0x7E0] =	sst s26  }
0x34: {  	s24 =	simm.s32 $0xA280;
	[smem:$0x7E8] =	sst s7  }
0x35: {  	s1 =	sshrl.u32 s20, $0x3;
	s31 =	simm.s32 $0xC800;
	[smem:$0x7F5] =	sst s24  }
0x36: {  	s22 =	sadd.s32 s1, s5;
	[smem:$0x7FD] =	sst s31  }
0x37: {  	s0 =	sadd.s32 s10, s5;
	[dreg:$0x18] =	wrdreg s22  }
0x38: {  	s15 =	sadd.s32 s14, s5;
	[dreg:$0x1d] =	wrdreg s0  }
0x39: {  	s1 =	sshrl.u32 s28, $0x3;
	s28 =	simm.s32 $0x2580;
	[dreg:$0x1f] =	wrdreg s15  }
0x3a: {  	s10 =	simm.s32 $0x5DC0;
	[smem:$0x7E1] =	sst s28  }
0x3b: {  	s19 =	smul.u32 $0x19000, s3;
	s26 =	simm.s32 $0xAF00;
	[smem:$0x7EA] =	sst s10  }
0x3c: {  	s30 =	sadd.s32 s1, s5;
	[smem:$0x7F9] =	sst s26  }
0x3d: {  	s22 =	sadd.s32 s19, s21;
	[dreg:$0x1b] =	wrdreg s30  }
0x3e: {  	s1 =	sshrl.u32 s11, $0x3;
	s11 =	simm.s32 $0x6400;
	[smem:$0x7DC] =	sst s22  }
0x3f: {  	s15 =	simm.s32 $0x76C0;
	[smem:$0x7EB] =	sst s11  }
0x40: {  	s19 =	simm.s32 $0x8980;
	[smem:$0x7EE] =	sst s15  }
0x41: {  	s21 =	simm.s32 $0x9600;
	[smem:$0x7F1] =	sst s19  }
0x42: {  	s28 =	simm.s32 $0xB540;
	[smem:$0x7F3] =	sst s21  }
0x43: {  	s0 =	sshrl.u32 s16, $0x3;
	s13 =	sadd.s32 s1, s5;
	[smem:$0x7FA] =	sst s28  }
0x44: {  	s18 =	simm.s32 $0x640;
	s0 =	sadd.s32 s0, s5;
	[dreg:$0x1e] =	wrdreg s13  }
0x45: {  	s6 =	simm.s32 $0x1;
	s30 =	simm.s32 $0x3200;
	[smem:$0x7DA] =	sst s0  }
0x46: {  	s1 =	sshrl.u32 s17, $0x3;
	s17 =	simm.s32 $0x7D00;
	[smem:$0x7E3] =	sst s30  }
0x47: {  	s14 =	smul.u32 $0xC800, s8;
	s22 =	simm.s32 $0x9C40;
	[smem:$0x7EF] =	sst s17  }
0x48: {  	s16 =	smul.u32 $0x6400, s3;
	s20 =	sadd.s32 s1, s5;
	[smem:$0x7F4] =	sst s22  }
0x49: {  	s3 =	ssub.s32 $0x2, s3;
	s1 =	simm.s32 $0x3E80;
	[smem:$0x7DB] =	sst s20  }
0x4a: {  	s23 =	sshrl.u32 s3, $0x1;
	s5 =	simm.s32 $0x44C0;
	[smem:$0x7E5] =	sst s1  }
0x4b: {  	s13 =	simm.s32 $0x7080;
	s3 =	ssub.s32 s3, s23;
	[smem:$0x7E6] =	sst s5  }
0x4c: {  	s30 =	simm.s32 $0xC1C0;
	[smem:$0x7ED] =	sst s13;
	s1 =	sadd.s32 s16, s14  }
0x4d: {  	s20 =	simm.s32 $0x8FC0;
	[smem:$0x7FC] =	sst s30;
	s1 =	sshrl.u32 s1, $0x3  }
0x4e: {  	s3 =	smax.u32 s3, $0x1;
	[smem:$0x7F2] =	sst s20;
	s1 =	sadd.s32 s1, s4  }
0x4f: {  	s8 =	simm.s32 $0x2;
	[smem:$0x7F6] =	sst s3;
	s1 =	sadd.s32 $0x1800, s1  }
0x50: {  	s5 =	simm.s32 $0x3;
	[smem:$0x7F8] =	sst s1;
	s1 =	simm.s32 $0x0  }
.LBB2_1:
0x51: {  	s19 =	sld [smem:$0x7F8];
	_ =	sdelay $0x1  }
0x52: {  	[smem:$0x7D9] =	sst s1  }
0x53: {  	[tilespmem:s2], [sflag:$0x3] =	stream.linear.gather [hbm4b:s19+s2], $0x640, $0x38;
	[tilespmem:$0xCE40] =	vst v63  }
0x54: {  	_ =	swait.ge [sflag:s5], $0x640  }
0x55: {  	[sflag:s5] =	ssyncset.done $0x0  }
0x56: {  	s0 =	rddreg [dreg:$0x3];
	[sflag:s5] =	ssyncadd.s32 $0xFFFFF9C0  }
0x57: {  	[tilespmem:s18], [sflag:$0x1] =	stream.indirect.gather [hbm4b:s0+s18], $0x20, s2, s18, $0xb8;
	[tilespmem:$0xCE40] =	vst v63  }
0x58: {  	_ =	swait.ge [sflag:s6], $0xC800  }
0x59: {  	s25 =	sld [smem:$0x7DC]  }
0x5a: {  	s26 =	sld [smem:$0x7DE]  }
0x5b: {  	s3 =	sld [smem:$0x7DD]  }
0x5c: {  	s4 =	sld [smem:$0x7DB]  }
0x5d: {  	s28 =	sld [smem:$0x7DA]  }
0x5e: {  	s29 =	sld [smem:$0x7DF]  }
0x5f: {  	s30 =	sld [smem:$0x7E0]  }
0x60: {  	s31 =	rddreg [dreg:$0x1f]  }
0x61: {  	s7 =	rddreg [dreg:$0x1e]  }
0x62: {  	s10 =	sld [smem:$0x7E1]  }
0x63: {  	s11 =	rddreg [dreg:$0x1d]  }
0x64: {  	s12 =	sld [smem:$0x7E2]  }
0x65: {  	s13 =	sld [smem:$0x7E3]  }
0x66: {  	s14 =	rddreg [dreg:$0x1c]  }
0x67: {  	s15 =	rddreg [dreg:$0x1b]  }
0x68: {  	s17 =	sld [smem:$0x7E4]  }
0x69: {  	s20 =	rddreg [dreg:$0x1a]  }
0x6a: {  	s21 =	sld [smem:$0x7E5]  }
0x6b: {  	s22 =	sld [smem:$0x7E6]  }
0x6c: {  	s23 =	rddreg [dreg:$0x19]  }
0x6d: {  	s24 =	rddreg [dreg:$0x18]  }
0x6e: {  	[sflag:s6] =	ssyncset.done $0x0;
	s9 =	sadd.s32 $0x0, s31;
	s31 =	rddreg [dreg:$0x16]  }
0x6f: {  	[sflag:s6] =	ssyncadd.s32 $0xFFFF3800;
	s1 =	sadd.s32 $0x0, s11;
	s11 =	rddreg [dreg:$0x14]  }
0x70: {  	s16 =	sadd.s32 $0x0, s14;
	s14 =	rddreg [dreg:$0x13];
	s0 =	sadd.s32 $0x0, s25  }
0x71: {  	[hbm4b:s0+s2] =	stream.linear.scatter [tilespmem:s18], [sflag:$0x2], $0x640, $0x38;
	[tilespmem:$0xCE40] =	vst v63  }
0x72: {  	s25 =	sadd.s32 $0x0, s23;
	s23 =	rddreg [dreg:$0x10];
	s0 =	sadd.s32 $0xC8, s0  }
0x73: {  	[hbm4b:s0+s2] =	stream.linear.scatter [tilespmem:s3], [sflag:$0x2], $0x640, $0x38;
	[tilespmem:$0xCE40] =	vst v63  }
0x74: {  	s4 =	sadd.s32 $0x0, s4;
	s0 =	sadd.s32 $0x0, s28;
	s28 =	rddreg [dreg:$0x17]  }
0x75: {  	[hbm4b:s4+s2] =	stream.linear.scatter [tilespmem:s26], [sflag:$0x2], $0x640, $0x38;
	[tilespmem:$0xCE40] =	vst v63  }
0x76: {  	s26 =	sld [smem:$0x7E7]  }
0x77: {  	[hbm4b:s0+s2] =	stream.linear.scatter [tilespmem:s29], [sflag:$0x2], $0x640, $0x38;
	[tilespmem:$0xCE40] =	vst v63  }
0x78: {  	s29 =	sld [smem:$0x7E8]  }
0x79: {  	s0 =	sadd.s32 $0x0, s7;
	s7 =	rddreg [dreg:$0x15]  }
0x7a: {  	[hbm4b:s9+s2] =	stream.linear.scatter [tilespmem:s30], [sflag:$0x2], $0x640, $0x38;
	[tilespmem:$0xCE40] =	vst v63  }
0x7b: {  	s30 =	sld [smem:$0x7E9]  }
0x7c: {  	s9 =	sadd.s32 $0x0, s31;
	s31 =	rddreg [dreg:$0xd]  }
0x7d: {  	[hbm4b:s0+s2] =	stream.linear.scatter [tilespmem:s10], [sflag:$0x2], $0x640, $0x38;
	[tilespmem:$0xCE40] =	vst v63  }
0x7e: {  	s10 =	sld [smem:$0x7EA]  }
0x7f: {  	s0 =	sadd.s32 $0x0, s20;
	s20 =	rddreg [dreg:$0x11]  }
0x80: {  	[hbm4b:s1+s2] =	stream.linear.scatter [tilespmem:s12], [sflag:$0x2], $0x640, $0x38;
	[tilespmem:$0xCE40] =	vst v63  }
0x81: {  	s12 =	sld [smem:$0x7EB]  }
0x82: {  	s1 =	sadd.s32 $0x0, s15;
	s15 =	rddreg [dreg:$0x12]  }
0x83: {  	[hbm4b:s16+s2] =	stream.linear.scatter [tilespmem:s13], [sflag:$0x2], $0x640, $0x38;
	[tilespmem:$0xCE40] =	vst v63  }
0x84: {  	s13 =	sld [smem:$0x7EC]  }
0x85: {  	s16 =	sadd.s32 $0x0, s14;
	s14 =	rddreg [dreg:$0xa]  }
0x86: {  	[hbm4b:s1+s2] =	stream.linear.scatter [tilespmem:s17], [sflag:$0x2], $0x640, $0x38;
	[tilespmem:$0xCE40] =	vst v63  }
0x87: {  	s17 =	sld [smem:$0x7ED]  }
0x88: {  	s1 =	sadd.s32 $0x0, s28;
	s28 =	rddreg [dreg:$0xe]  }
0x89: {  	[hbm4b:s0+s2] =	stream.linear.scatter [tilespmem:s21], [sflag:$0x2], $0x640, $0x38;
	[tilespmem:$0xCE40] =	vst v63  }
0x8a: {  	s21 =	sld [smem:$0x7EE]  }
0x8b: {  	s0 =	sadd.s32 $0x0, s24;
	s24 =	rddreg [dreg:$0xf]  }
0x8c: {  	[hbm4b:s25+s2] =	stream.linear.scatter [tilespmem:s22], [sflag:$0x2], $0x640, $0x38;
	[tilespmem:$0xCE40] =	vst v63  }
0x8d: {  	s22 =	sld [smem:$0x7EF]  }
0x8e: {  	s25 =	sadd.s32 $0x0, s23;
	s23 =	rddreg [dreg:$0x7]  }
0x8f: {  	[hbm4b:s0+s2] =	stream.linear.scatter [tilespmem:s26], [sflag:$0x2], $0x640, $0x38;
	[tilespmem:$0xCE40] =	vst v63  }
0x90: {  	s26 =	sld [smem:$0x7F0]  }
0x91: {  	[hbm4b:s1+s2] =	stream.linear.scatter [tilespmem:s29], [sflag:$0x2], $0x640, $0x38;
	[tilespmem:$0xCE40] =	vst v63  }
0x92: {  	s0 =	sadd.s32 $0x0, s11;
	s11 =	rddreg [dreg:$0xb]  }
0x93: {  	[hbm4b:s9+s2] =	stream.linear.scatter [tilespmem:s30], [sflag:$0x2], $0x640, $0x38;
	[tilespmem:$0xCE40] =	vst v63  }
0x94: {  	s1 =	sadd.s32 $0x0, s7;
	s29 =	sld [smem:$0x7F1]  }
0x95: {  	[hbm4b:s1+s2] =	stream.linear.scatter [tilespmem:s10], [sflag:$0x2], $0x640, $0x38;
	[tilespmem:$0xCE40] =	vst v63  }
0x96: {  	s7 =	rddreg [dreg:$0xc]  }
0x97: {  	[hbm4b:s0+s2] =	stream.linear.scatter [tilespmem:s12], [sflag:$0x2], $0x640, $0x38;
	[tilespmem:$0xCE40] =	vst v63  }
0x98: {  	s30 =	sld [smem:$0x7F2]  }
0x99: {  	[hbm4b:s16+s2] =	stream.linear.scatter [tilespmem:s13], [sflag:$0x2], $0x640, $0x38;
	[tilespmem:$0xCE40] =	vst v63  }
0x9a: {  	s9 =	sadd.s32 $0x0, s31;
	s31 =	sld [smem:$0x7FD];
	s0 =	sadd.s32 $0x0, s15  }
0x9b: {  	[hbm4b:s0+s2] =	stream.linear.scatter [tilespmem:s17], [sflag:$0x2], $0x640, $0x38;
	[tilespmem:$0xCE40] =	vst v63  }
0x9c: {  	s1 =	sadd.s32 $0x0, s20;
	s10 =	sld [smem:$0x7F3]  }
0x9d: {  	[hbm4b:s1+s2] =	stream.linear.scatter [tilespmem:s21], [sflag:$0x2], $0x640, $0x38;
	[tilespmem:$0xCE40] =	vst v63  }
0x9e: {  	s20 =	rddreg [dreg:$0x8]  }
0x9f: {  	[hbm4b:s25+s2] =	stream.linear.scatter [tilespmem:s22], [sflag:$0x2], $0x640, $0x38;
	[tilespmem:$0xCE40] =	vst v63  }
0xa0: {  	s12 =	sld [smem:$0x7F4];
	s1 =	sadd.s32 $0x0, s24  }
0xa1: {  	[hbm4b:s1+s2] =	stream.linear.scatter [tilespmem:s26], [sflag:$0x2], $0x640, $0x38;
	[tilespmem:$0xCE40] =	vst v63  }
0xa2: {  	s15 =	rddreg [dreg:$0x9];
	s0 =	sadd.s32 $0x0, s28  }
0xa3: {  	[hbm4b:s0+s2] =	stream.linear.scatter [tilespmem:s29], [sflag:$0x2], $0x640, $0x38;
	[tilespmem:$0xCE40] =	vst v63  }
0xa4: {  	s13 =	sld [smem:$0x7F5]  }
0xa5: {  	[hbm4b:s9+s2] =	stream.linear.scatter [tilespmem:s30], [sflag:$0x2], $0x640, $0x38;
	[tilespmem:$0xCE40] =	vst v63  }
0xa6: {  	s17 =	sld [smem:$0x7F7];
	s0 =	sadd.s32 $0x0, s7  }
0xa7: {  	[hbm4b:s0+s2] =	stream.linear.scatter [tilespmem:s10], [sflag:$0x2], $0x640, $0x38;
	[tilespmem:$0xCE40] =	vst v63  }
0xa8: {  	s28 =	rddreg [dreg:$0x5];
	s1 =	sadd.s32 $0x0, s11  }
0xa9: {  	[hbm4b:s1+s2] =	stream.linear.scatter [tilespmem:s12], [sflag:$0x2], $0x640, $0x38;
	[tilespmem:$0xCE40] =	vst v63  }
0xaa: {  	s16 =	sadd.s32 $0x0, s14;
	s21 =	sld [smem:$0x7F9]  }
0xab: {  	[hbm4b:s16+s2] =	stream.linear.scatter [tilespmem:s13], [sflag:$0x2], $0x640, $0x38;
	[tilespmem:$0xCE40] =	vst v63  }
0xac: {  	s24 =	rddreg [dreg:$0x6];
	s1 =	sadd.s32 $0x0, s15  }
0xad: {  	[hbm4b:s1+s2] =	stream.linear.scatter [tilespmem:s17], [sflag:$0x2], $0x640, $0x38;
	[tilespmem:$0xCE40] =	vst v63  }
0xae: {  	s22 =	sld [smem:$0x7FA];
	s0 =	sadd.s32 $0x0, s20  }
0xaf: {  	[hbm4b:s0+s2] =	stream.linear.scatter [tilespmem:s21], [sflag:$0x2], $0x640, $0x38;
	[tilespmem:$0xCE40] =	vst v63  }
0xb0: {  	s25 =	sadd.s32 $0x0, s23;
	s26 =	sld [smem:$0x7FB]  }
0xb1: {  	[hbm4b:s25+s2] =	stream.linear.scatter [tilespmem:s22], [sflag:$0x2], $0x640, $0x38;
	[tilespmem:$0xCE40] =	vst v63  }
0xb2: {  	s29 =	sld [smem:$0x7FC];
	s0 =	sadd.s32 $0x0, s24  }
0xb3: {  	[hbm4b:s0+s2] =	stream.linear.scatter [tilespmem:s26], [sflag:$0x2], $0x640, $0x38;
	[tilespmem:$0xCE40] =	vst v63  }
0xb4: {  	s30 =	rddreg [dreg:$0x4];
	s1 =	sadd.s32 $0x0, s28  }
0xb5: {  	[hbm4b:s1+s2] =	stream.linear.scatter [tilespmem:s29], [sflag:$0x2], $0x640, $0x38;
	[tilespmem:$0xCE40] =	vst v63  }
0xb6: {  	s0 =	sadd.s32 $0x0, s30  }
0xb7: {  	[hbm4b:s0+s2] =	stream.linear.scatter [tilespmem:s31], [sflag:$0x2], $0x640, $0x38;
	[tilespmem:$0xCE40] =	vst v63  }
0xb8: {  	_ =	swait.ge [sflag:s8], $0x640  }
0xb9: {  	[sflag:s8] =	ssyncset.done $0x0  }
0xba: {  	[sflag:s8] =	ssyncadd.s32 $0xFFFFF9C0  }
0xbb: {  	_ =	swait.ge [sflag:s8], $0x640  }
0xbc: {  	[sflag:s8] =	ssyncset.done $0x0  }
0xbd: {  	[sflag:s8] =	ssyncadd.s32 $0xFFFFF9C0  }
0xbe: {  	_ =	swait.ge [sflag:s8], $0x640  }
0xbf: {  	[sflag:s8] =	ssyncset.done $0x0  }
0xc0: {  	[sflag:s8] =	ssyncadd.s32 $0xFFFFF9C0  }
0xc1: {  	_ =	swait.ge [sflag:s8], $0x640  }
0xc2: {  	[sflag:s8] =	ssyncset.done $0x0  }
0xc3: {  	[sflag:s8] =	ssyncadd.s32 $0xFFFFF9C0  }
0xc4: {  	_ =	swait.ge [sflag:s8], $0x640  }
0xc5: {  	[sflag:s8] =	ssyncset.done $0x0  }
0xc6: {  	[sflag:s8] =	ssyncadd.s32 $0xFFFFF9C0  }
0xc7: {  	_ =	swait.ge [sflag:s8], $0x640  }
0xc8: {  	[sflag:s8] =	ssyncset.done $0x0  }
0xc9: {  	[sflag:s8] =	ssyncadd.s32 $0xFFFFF9C0  }
0xca: {  	_ =	swait.ge [sflag:s8], $0x640  }
0xcb: {  	[sflag:s8] =	ssyncset.done $0x0  }
0xcc: {  	[sflag:s8] =	ssyncadd.s32 $0xFFFFF9C0  }
0xcd: {  	_ =	swait.ge [sflag:s8], $0x640  }
0xce: {  	[sflag:s8] =	ssyncset.done $0x0  }
0xcf: {  	[sflag:s8] =	ssyncadd.s32 $0xFFFFF9C0  }
0xd0: {  	_ =	swait.ge [sflag:s8], $0x640  }
0xd1: {  	[sflag:s8] =	ssyncset.done $0x0  }
0xd2: {  	[sflag:s8] =	ssyncadd.s32 $0xFFFFF9C0  }
0xd3: {  	_ =	swait.ge [sflag:s8], $0x640  }
0xd4: {  	[sflag:s8] =	ssyncset.done $0x0  }
0xd5: {  	[sflag:s8] =	ssyncadd.s32 $0xFFFFF9C0  }
0xd6: {  	_ =	swait.ge [sflag:s8], $0x640  }
0xd7: {  	[sflag:s8] =	ssyncset.done $0x0  }
0xd8: {  	[sflag:s8] =	ssyncadd.s32 $0xFFFFF9C0  }
0xd9: {  	_ =	swait.ge [sflag:s8], $0x640  }
0xda: {  	[sflag:s8] =	ssyncset.done $0x0  }
0xdb: {  	[sflag:s8] =	ssyncadd.s32 $0xFFFFF9C0  }
0xdc: {  	_ =	swait.ge [sflag:s8], $0x640  }
0xdd: {  	[sflag:s8] =	ssyncset.done $0x0  }
0xde: {  	[sflag:s8] =	ssyncadd.s32 $0xFFFFF9C0  }
0xdf: {  	_ =	swait.ge [sflag:s8], $0x640  }
0xe0: {  	[sflag:s8] =	ssyncset.done $0x0  }
0xe1: {  	[sflag:s8] =	ssyncadd.s32 $0xFFFFF9C0  }
0xe2: {  	_ =	swait.ge [sflag:s8], $0x640  }
0xe3: {  	[sflag:s8] =	ssyncset.done $0x0  }
0xe4: {  	[sflag:s8] =	ssyncadd.s32 $0xFFFFF9C0  }
0xe5: {  	_ =	swait.ge [sflag:s8], $0x640  }
0xe6: {  	[sflag:s8] =	ssyncset.done $0x0  }
0xe7: {  	[sflag:s8] =	ssyncadd.s32 $0xFFFFF9C0  }
0xe8: {  	_ =	swait.ge [sflag:s8], $0x640  }
0xe9: {  	[sflag:s8] =	ssyncset.done $0x0  }
0xea: {  	[sflag:s8] =	ssyncadd.s32 $0xFFFFF9C0  }
0xeb: {  	_ =	swait.ge [sflag:s8], $0x640  }
0xec: {  	[sflag:s8] =	ssyncset.done $0x0  }
0xed: {  	[sflag:s8] =	ssyncadd.s32 $0xFFFFF9C0  }
0xee: {  	_ =	swait.ge [sflag:s8], $0x640  }
0xef: {  	[sflag:s8] =	ssyncset.done $0x0  }
0xf0: {  	[sflag:s8] =	ssyncadd.s32 $0xFFFFF9C0  }
0xf1: {  	_ =	swait.ge [sflag:s8], $0x640  }
0xf2: {  	[sflag:s8] =	ssyncset.done $0x0  }
0xf3: {  	[sflag:s8] =	ssyncadd.s32 $0xFFFFF9C0  }
0xf4: {  	_ =	swait.ge [sflag:s8], $0x640  }
0xf5: {  	[sflag:s8] =	ssyncset.done $0x0  }
0xf6: {  	[sflag:s8] =	ssyncadd.s32 $0xFFFFF9C0  }
0xf7: {  	_ =	swait.ge [sflag:s8], $0x640  }
0xf8: {  	[sflag:s8] =	ssyncset.done $0x0  }
0xf9: {  	s10 =	simm.s32 $0x1900;
	[sflag:s8] =	ssyncadd.s32 $0xFFFFF9C0  }
.LBB2_2:
0xfa: {  	_ =	swait.ge [sflag:s8], $0x640  }
0xfb: {  	[sflag:s8] =	ssyncset.done $0x0  }
0xfc: {  	[sflag:s8] =	ssyncadd.s32 $0xFFFFF9C0  }
0xfd: {  	_ =	swait.ge [sflag:s8], $0x640  }
0xfe: {  	[sflag:s8] =	ssyncset.done $0x0  }
0xff: {  	[sflag:s8] =	ssyncadd.s32 $0xFFFFF9C0  }
0x100: {  	_ =	swait.ge [sflag:s8], $0x640  }
0x101: {  	[sflag:s8] =	ssyncset.done $0x0  }
0x102: {  	[sflag:s8] =	ssyncadd.s32 $0xFFFFF9C0  }
0x103: {  	_ =	swait.ge [sflag:s8], $0x640  }
0x104: {  	[sflag:s8] =	ssyncset.done $0x0  }
0x105: {  	[sflag:s8] =	ssyncadd.s32 $0xFFFFF9C0  }
0x106: {  	_ =	swait.ge [sflag:s8], $0x640  }
0x107: {  	[sflag:s8] =	ssyncset.done $0x0  }
0x108: {  	[sflag:s8] =	ssyncadd.s32 $0xFFFFF9C0  }
0x109: {  	_ =	swait.ge [sflag:s8], $0x640  }
0x10a: {  	[sflag:s8] =	ssyncset.done $0x0  }
0x10b: {  	[sflag:s8] =	ssyncadd.s32 $0xFFFFF9C0  }
0x10c: {  	_ =	swait.ge [sflag:s8], $0x640  }
0x10d: {  	[sflag:s8] =	ssyncset.done $0x0  }
0x10e: {  	[sflag:s8] =	ssyncadd.s32 $0xFFFFF9C0  }
0x10f: {  	_ =	swait.ge [sflag:s8], $0x640  }
0x110: {  	[sflag:s8] =	ssyncset.done $0x0  }
0x111: {  	[sflag:s8] =	ssyncadd.s32 $0xFFFFF9C0  }
0x112: {  	_ =	swait.ge [sflag:s8], $0x640  }
0x113: {  	[sflag:s8] =	ssyncset.done $0x0  }
0x114: {  	[sflag:s8] =	ssyncadd.s32 $0xFFFFF9C0  }
0x115: {  	_ =	swait.ge [sflag:s8], $0x640  }
0x116: {  	[sflag:s8] =	ssyncset.done $0x0  }
0x117: {  	s19 =	sadd.s32 $0xC8, s19;
	[sflag:s8] =	ssyncadd.s32 $0xFFFFF9C0  }
0x118: {  	[tilespmem:s2], [sflag:$0x3] =	stream.linear.gather [hbm4b:s19+s2], $0x640, $0x38;
	[tilespmem:$0xCE40] =	vst v63  }
0x119: {  	_ =	swait.ge [sflag:s5], $0x640  }
0x11a: {  	[sflag:s5] =	ssyncset.done $0x0  }
0x11b: {  	s0 =	rddreg [dreg:$0x3];
	[sflag:s5] =	ssyncadd.s32 $0xFFFFF9C0  }
0x11c: {  	[tilespmem:s18], [sflag:$0x1] =	stream.indirect.gather [hbm4b:s0+s18], $0x20, s2, s18, $0xb8;
	[tilespmem:$0xCE40] =	vst v63  }
0x11d: {  	_ =	swait.ge [sflag:s6], $0xC800  }
0x11e: {  	s4 =	sld [smem:$0x7FA]  }
0x11f: {  	s5 =	rddreg [dreg:$0x5]  }
0x120: {  	s7 =	rddreg [dreg:$0x7]  }
0x121: {  	s9 =	rddreg [dreg:$0x8]  }
0x122: {  	s20 =	sld [smem:$0x7F2]  }
0x123: {  	s11 =	rddreg [dreg:$0xa]  }
0x124: {  	s13 =	rddreg [dreg:$0xb]  }
0x125: {  	s24 =	sld [smem:$0x7EF]  }
0x126: {  	s21 =	rddreg [dreg:$0xd]  }
0x127: {  	s23 =	rddreg [dreg:$0xe]  }
0x128: {  	s28 =	sld [smem:$0x7EC]  }
0x129: {  	s25 =	rddreg [dreg:$0x10]  }
0x12a: {  	s26 =	rddreg [dreg:$0x11]  }
0x12b: {  	s31 =	sld [smem:$0x7E9]  }
0x12c: {  	s29 =	rddreg [dreg:$0x13]  }
0x12d: {  	s30 =	rddreg [dreg:$0x14]  }
0x12e: {  	s3 =	sld [smem:$0x7E6]  }
0x12f: {  	s1 =	rddreg [dreg:$0x16]  }
0x130: {  	s0 =	rddreg [dreg:$0x17]  }
0x131: {  	s14 =	sld [smem:$0x7DA]  }
0x132: {  	s22 =	sld [smem:$0x7DC]  }
0x133: {  	s15 =	rddreg [dreg:$0x1d]  }
0x134: {  	s16 =	sld [smem:$0x7DF]  }
0x135: {  	[sflag:s6] =	ssyncset.done $0x0;
	[smem:$0x7D8] =	sst s5  }
0x136: {  	[sflag:s6] =	ssyncadd.s32 $0xFFFF3800;
	s6 =	sld [smem:$0x7F5]  }
0x137: {  	[smem:$0x7D6] =	sst s7  }
0x138: {  	[smem:$0x7D5] =	sst s9  }
0x139: {  	[smem:$0x7D3] =	sst s11  }
0x13a: {  	[smem:$0x7D2] =	sst s13  }
0x13b: {  	s9 =	rddreg [dreg:$0x1a]  }
0x13c: {  	s5 =	sld [smem:$0x7DE]  }
0x13d: {  	s7 =	rddreg [dreg:$0x1c]  }
0x13e: {  	s11 =	sld [smem:$0x7DD]  }
0x13f: {  	s13 =	sld [smem:$0x7DB]  }
0x140: {  	[smem:$0x7D7] =	sst s4  }
0x141: {  	s12 =	smov.u32 s10;
	s4 =	rddreg [dreg:$0x19]  }
0x142: {  	s17 =	sadd.s32 s12, s22;
	s22 =	rddreg [dreg:$0x4]  }
0x143: {  	[smem:$0x7D4] =	sst s6  }
0x144: {  	s6 =	sld [smem:$0x7E3]  }
0x145: {  	[hbm4b:s17+s2] =	stream.linear.scatter [tilespmem:s18], [sflag:$0x2], $0x640, $0x38;
	[tilespmem:$0xCE40] =	vst v63  }
0x146: {  	s17 =	sadd.s32 $0xC8, s17;
	s18 =	sld [smem:$0x7E0]  }
0x147: {  	[hbm4b:s17+s2] =	stream.linear.scatter [tilespmem:s11], [sflag:$0x2], $0x640, $0x38;
	[tilespmem:$0xCE40] =	vst v63  }
0x148: {  	s17 =	rddreg [dreg:$0x1f]  }
0x149: {  	s13 =	sadd.s32 s12, s13;
	s11 =	sld [smem:$0x7E4]  }
0x14a: {  	[hbm4b:s13+s2] =	stream.linear.scatter [tilespmem:s5], [sflag:$0x2], $0x640, $0x38;
	[tilespmem:$0xCE40] =	vst v63  }
0x14b: {  	s13 =	rddreg [dreg:$0x1e]  }
0x14c: {  	s14 =	sadd.s32 s12, s14;
	s5 =	sadd.s32 s12, s13;
	s13 =	sld [smem:$0x7E8]  }
0x14d: {  	[hbm4b:s14+s2] =	stream.linear.scatter [tilespmem:s16], [sflag:$0x2], $0x640, $0x38;
	[tilespmem:$0xCE40] =	vst v63  }
0x14e: {  	s16 =	sadd.s32 s12, s17;
	s17 =	sld [smem:$0x7E1]  }
0x14f: {  	s14 =	sld [smem:$0x7E2]  }
0x150: {  	[hbm4b:s16+s2] =	stream.linear.scatter [tilespmem:s18], [sflag:$0x2], $0x640, $0x38;
	[tilespmem:$0xCE40] =	vst v63  }
0x151: {  	s16 =	sadd.s32 s12, s15;
	s15 =	sld [smem:$0x7E5]  }
0x152: {  	[hbm4b:s5+s2] =	stream.linear.scatter [tilespmem:s17], [sflag:$0x2], $0x640, $0x38;
	[tilespmem:$0xCE40] =	vst v63  }
0x153: {  	s17 =	rddreg [dreg:$0x1b]  }
0x154: {  	[hbm4b:s16+s2] =	stream.linear.scatter [tilespmem:s14], [sflag:$0x2], $0x640, $0x38;
	[tilespmem:$0xCE40] =	vst v63  }
0x155: {  	s14 =	sadd.s32 s12, s17;
	s17 =	rddreg [dreg:$0x18]  }
0x156: {  	s7 =	sadd.s32 s12, s7;
	s16 =	sadd.s32 s12, s9;
	s9 =	sld [smem:$0x7E7]  }
0x157: {  	[hbm4b:s7+s2] =	stream.linear.scatter [tilespmem:s6], [sflag:$0x2], $0x640, $0x38;
	[tilespmem:$0xCE40] =	vst v63  }
0x158: {  	s7 =	sadd.s32 s12, s29;
	s29 =	rddreg [dreg:$0xc]  }
0x159: {  	[hbm4b:s14+s2] =	stream.linear.scatter [tilespmem:s11], [sflag:$0x2], $0x640, $0x38;
	[tilespmem:$0xCE40] =	vst v63  }
0x15a: {  	s11 =	sadd.s32 s12, s17;
	s14 =	rddreg [dreg:$0x15]  }
0x15b: {  	s17 =	sadd.s32 s12, s14;
	s14 =	sadd.s32 s12, s26;
	s26 =	sld [smem:$0x7F1]  }
0x15c: {  	[hbm4b:s16+s2] =	stream.linear.scatter [tilespmem:s15], [sflag:$0x2], $0x640, $0x38;
	[tilespmem:$0xCE40] =	vst v63  }
0x15d: {  	s4 =	sadd.s32 s12, s4;
	s15 =	sadd.s32 s12, s1;
	s16 =	sld [smem:$0x7EA]  }
0x15e: {  	s1 =	sadd.s32 s12, s30;
	s30 =	sadd.s32 s12, s21;
	s21 =	rddreg [dreg:$0x6]  }
0x15f: {  	[hbm4b:s4+s2] =	stream.linear.scatter [tilespmem:s3], [sflag:$0x2], $0x640, $0x38;
	[tilespmem:$0xCE40] =	vst v63  }
0x160: {  	s4 =	rddreg [dreg:$0x12]  }
0x161: {  	[hbm4b:s11+s2] =	stream.linear.scatter [tilespmem:s9], [sflag:$0x2], $0x640, $0x38;
	[tilespmem:$0xCE40] =	vst v63  }
0x162: {  	s0 =	sadd.s32 s12, s0;
	s9 =	sld [smem:$0x7ED]  }
0x163: {  	s11 =	sadd.s32 s12, s4;
	s4 =	sadd.s32 s12, s29;
	s29 =	sld [smem:$0x7D8]  }
0x164: {  	[hbm4b:s0+s2] =	stream.linear.scatter [tilespmem:s13], [sflag:$0x2], $0x640, $0x38;
	[tilespmem:$0xCE40] =	vst v63  }
0x165: {  	s13 =	sld [smem:$0x7EE]  }
0x166: {  	[hbm4b:s15+s2] =	stream.linear.scatter [tilespmem:s31], [sflag:$0x2], $0x640, $0x38;
	[tilespmem:$0xCE40] =	vst v63  }
0x167: {  	s31 =	sld [smem:$0x7EB]  }
0x168: {  	[hbm4b:s17+s2] =	stream.linear.scatter [tilespmem:s16], [sflag:$0x2], $0x640, $0x38;
	[tilespmem:$0xCE40] =	vst v63  }
0x169: {  	s15 =	rddreg [dreg:$0xf]  }
0x16a: {  	[hbm4b:s1+s2] =	stream.linear.scatter [tilespmem:s31], [sflag:$0x2], $0x640, $0x38;
	[tilespmem:$0xCE40] =	vst v63  }
0x16b: {  	s17 =	sld [smem:$0x7F0]  }
0x16c: {  	[hbm4b:s7+s2] =	stream.linear.scatter [tilespmem:s28], [sflag:$0x2], $0x640, $0x38;
	[tilespmem:$0xCE40] =	vst v63  }
0x16d: {  	s16 =	sadd.s32 s12, s25;
	s25 =	sadd.s32 s12, s15;
	s15 =	sld [smem:$0x7D4]  }
0x16e: {  	[hbm4b:s11+s2] =	stream.linear.scatter [tilespmem:s9], [sflag:$0x2], $0x640, $0x38;
	[tilespmem:$0xCE40] =	vst v63  }
0x16f: {  	s31 =	sld [smem:$0x7F3]  }
0x170: {  	[hbm4b:s14+s2] =	stream.linear.scatter [tilespmem:s13], [sflag:$0x2], $0x640, $0x38;
	[tilespmem:$0xCE40] =	vst v63  }
0x171: {  	s7 =	sld [smem:$0x7F4]  }
0x172: {  	[hbm4b:s16+s2] =	stream.linear.scatter [tilespmem:s24], [sflag:$0x2], $0x640, $0x38;
	[tilespmem:$0xCE40] =	vst v63  }
0x173: {  	s28 =	sadd.s32 s12, s23;
	s23 =	sld [smem:$0x7D6]  }
0x174: {  	[hbm4b:s25+s2] =	stream.linear.scatter [tilespmem:s17], [sflag:$0x2], $0x640, $0x38;
	[tilespmem:$0xCE40] =	vst v63  }
0x175: {  	s9 =	sld [smem:$0x7D2]  }
0x176: {  	[hbm4b:s28+s2] =	stream.linear.scatter [tilespmem:s26], [sflag:$0x2], $0x640, $0x38;
	[tilespmem:$0xCE40] =	vst v63  }
0x177: {  	s11 =	rddreg [dreg:$0x9]  }
0x178: {  	[hbm4b:s30+s2] =	stream.linear.scatter [tilespmem:s20], [sflag:$0x2], $0x640, $0x38;
	[tilespmem:$0xCE40] =	vst v63  }
0x179: {  	s13 =	sld [smem:$0x7D3]  }
0x17a: {  	[hbm4b:s4+s2] =	stream.linear.scatter [tilespmem:s31], [sflag:$0x2], $0x640, $0x38;
	[tilespmem:$0xCE40] =	vst v63  }
0x17b: {  	s14 =	sld [smem:$0x7F7];
	s0 =	sadd.s32 s12, s9  }
0x17c: {  	[hbm4b:s0+s2] =	stream.linear.scatter [tilespmem:s7], [sflag:$0x2], $0x640, $0x38;
	[tilespmem:$0xCE40] =	vst v63  }
0x17d: {  	s20 =	sld [smem:$0x7D5];
	s0 =	sadd.s32 s12, s13  }
0x17e: {  	[hbm4b:s0+s2] =	stream.linear.scatter [tilespmem:s15], [sflag:$0x2], $0x640, $0x38;
	[tilespmem:$0xCE40] =	vst v63  }
0x17f: {  	s16 =	sadd.s32 s12, s11;
	s17 =	sld [smem:$0x7F9]  }
0x180: {  	[hbm4b:s16+s2] =	stream.linear.scatter [tilespmem:s14], [sflag:$0x2], $0x640, $0x38;
	[tilespmem:$0xCE40] =	vst v63  }
0x181: {  	s25 =	sld [smem:$0x7D7];
	s0 =	sadd.s32 s12, s20  }
0x182: {  	[hbm4b:s0+s2] =	stream.linear.scatter [tilespmem:s17], [sflag:$0x2], $0x640, $0x38;
	[tilespmem:$0xCE40] =	vst v63  }
0x183: {  	s24 =	sld [smem:$0x7FB];
	s0 =	sadd.s32 s12, s23  }
0x184: {  	[hbm4b:s0+s2] =	stream.linear.scatter [tilespmem:s25], [sflag:$0x2], $0x640, $0x38;
	[tilespmem:$0xCE40] =	vst v63  }
0x185: {  	s26 =	sadd.s32 s12, s21;
	s28 =	sld [smem:$0x7FC]  }
0x186: {  	[hbm4b:s26+s2] =	stream.linear.scatter [tilespmem:s24], [sflag:$0x2], $0x640, $0x38;
	[tilespmem:$0xCE40] =	vst v63  }
0x187: {  	s31 =	sld [smem:$0x7FD];
	s0 =	sadd.s32 s12, s29  }
0x188: {  	[hbm4b:s0+s2] =	stream.linear.scatter [tilespmem:s28], [sflag:$0x2], $0x640, $0x38;
	[tilespmem:$0xCE40] =	vst v63  }
0x189: {  	s30 =	sadd.s32 s12, s22  }
0x18a: {  	[hbm4b:s30+s2] =	stream.linear.scatter [tilespmem:s31], [sflag:$0x2], $0x640, $0x38;
	[tilespmem:$0xCE40] =	vst v63  }
0x18b: {  	_ =	swait.ge [sflag:s8], $0x640  }
0x18c: {  	[sflag:s8] =	ssyncset.done $0x0  }
0x18d: {  	[sflag:s8] =	ssyncadd.s32 $0xFFFFF9C0  }
0x18e: {  	_ =	swait.ge [sflag:s8], $0x640  }
0x18f: {  	[sflag:s8] =	ssyncset.done $0x0  }
0x190: {  	[sflag:s8] =	ssyncadd.s32 $0xFFFFF9C0  }
0x191: {  	_ =	swait.ge [sflag:s8], $0x640  }
0x192: {  	[sflag:s8] =	ssyncset.done $0x0  }
0x193: {  	[sflag:s8] =	ssyncadd.s32 $0xFFFFF9C0  }
0x194: {  	_ =	swait.ge [sflag:s8], $0x640  }
0x195: {  	[sflag:s8] =	ssyncset.done $0x0  }
0x196: {  	[sflag:s8] =	ssyncadd.s32 $0xFFFFF9C0  }
0x197: {  	_ =	swait.ge [sflag:s8], $0x640  }
0x198: {  	[sflag:s8] =	ssyncset.done $0x0  }
0x199: {  	[sflag:s8] =	ssyncadd.s32 $0xFFFFF9C0  }
0x19a: {  	_ =	swait.ge [sflag:s8], $0x640  }
0x19b: {  	[sflag:s8] =	ssyncset.done $0x0  }
0x19c: {  	[sflag:s8] =	ssyncadd.s32 $0xFFFFF9C0  }
0x19d: {  	_ =	swait.ge [sflag:s8], $0x640  }
0x19e: {  	[sflag:s8] =	ssyncset.done $0x0  }
0x19f: {  	[sflag:s8] =	ssyncadd.s32 $0xFFFFF9C0  }
0x1a0: {  	_ =	swait.ge [sflag:s8], $0x640  }
0x1a1: {  	[sflag:s8] =	ssyncset.done $0x0  }
0x1a2: {  	[sflag:s8] =	ssyncadd.s32 $0xFFFFF9C0  }
0x1a3: {  	_ =	swait.ge [sflag:s8], $0x640  }
0x1a4: {  	[sflag:s8] =	ssyncset.done $0x0  }
0x1a5: {  	[sflag:s8] =	ssyncadd.s32 $0xFFFFF9C0  }
0x1a6: {  	_ =	swait.ge [sflag:s8], $0x640  }
0x1a7: {  	[sflag:s8] =	ssyncset.done $0x0  }
0x1a8: {  	[sflag:s8] =	ssyncadd.s32 $0xFFFFF9C0  }
0x1a9: {  	_ =	swait.ge [sflag:s8], $0x640  }
0x1aa: {  	[sflag:s8] =	ssyncset.done $0x0  }
0x1ab: {  	[sflag:s8] =	ssyncadd.s32 $0xFFFFF9C0  }
0x1ac: {  	_ =	swait.ge [sflag:s8], $0x640  }
0x1ad: {  	[sflag:s8] =	ssyncset.done $0x0  }
0x1ae: {  	[sflag:s8] =	ssyncadd.s32 $0xFFFFF9C0  }
0x1af: {  	_ =	swait.ge [sflag:s8], $0x640  }
0x1b0: {  	[sflag:s8] =	ssyncset.done $0x0  }
0x1b1: {  	[sflag:s8] =	ssyncadd.s32 $0xFFFFF9C0  }
0x1b2: {  	_ =	swait.ge [sflag:s8], $0x640  }
0x1b3: {  	[sflag:s8] =	ssyncset.done $0x0  }
0x1b4: {  	[sflag:s8] =	ssyncadd.s32 $0xFFFFF9C0  }
0x1b5: {  	_ =	swait.ge [sflag:s8], $0x640  }
0x1b6: {  	[sflag:s8] =	ssyncset.done $0x0  }
0x1b7: {  	[sflag:s8] =	ssyncadd.s32 $0xFFFFF9C0  }
0x1b8: {  	_ =	swait.ge [sflag:s8], $0x640  }
0x1b9: {  	[sflag:s8] =	ssyncset.done $0x0  }
0x1ba: {  	[sflag:s8] =	ssyncadd.s32 $0xFFFFF9C0  }
0x1bb: {  	_ =	swait.ge [sflag:s8], $0x640  }
0x1bc: {  	[sflag:s8] =	ssyncset.done $0x0  }
0x1bd: {  	[sflag:s8] =	ssyncadd.s32 $0xFFFFF9C0  }
0x1be: {  	_ =	swait.ge [sflag:s8], $0x640  }
0x1bf: {  	[sflag:s8] =	ssyncset.done $0x0  }
0x1c0: {  	[sflag:s8] =	ssyncadd.s32 $0xFFFFF9C0  }
0x1c1: {  	_ =	swait.ge [sflag:s8], $0x640  }
0x1c2: {  	[sflag:s8] =	ssyncset.done $0x0  }
0x1c3: {  	[sflag:s8] =	ssyncadd.s32 $0xFFFFF9C0  }
0x1c4: {  	_ =	swait.ge [sflag:s8], $0x640  }
0x1c5: {  	[sflag:s8] =	ssyncset.done $0x0  }
0x1c6: {  	[sflag:s8] =	ssyncadd.s32 $0xFFFFF9C0  }
0x1c7: {  	p0 =	sne.s32 s10, $0x17700;
	_ =	swait.ge [sflag:s8], $0x640  }
.Ltmp0:
0x1c8: {  	[sflag:s8] =	ssyncset.done $0x0;
	(pc) =	sbr.rel @p0 .LBB2_2-.Ltmp0, $4  }
0x1c9: {  	[sflag:s8] =	ssyncadd.s32 $0xFFFFF9C0  }
0x1ca: {  	_ =	swait.ge [sflag:s8], $0x640  }
0x1cb: {  	s10 =	sadd.s32 $0x1900, s10;
	s18 =	simm.s32 $0x640;
	[sflag:s8] =	ssyncset.done $0x0  }
0x1cc: {  	s5 =	simm.s32 $0x3;
	s6 =	simm.s32 $0x1;
	[sflag:s8] =	ssyncadd.s32 $0xFFFFF9C0  }
0x1cd: {  	_ =	swait.ge [sflag:s8], $0x640  }
0x1ce: {  	[sflag:s8] =	ssyncset.done $0x0  }
0x1cf: {  	[sflag:s8] =	ssyncadd.s32 $0xFFFFF9C0  }
0x1d0: {  	_ =	swait.ge [sflag:s8], $0x640  }
0x1d1: {  	[sflag:s8] =	ssyncset.done $0x0  }
0x1d2: {  	[sflag:s8] =	ssyncadd.s32 $0xFFFFF9C0  }
0x1d3: {  	_ =	swait.ge [sflag:s8], $0x640  }
0x1d4: {  	[sflag:s8] =	ssyncset.done $0x0  }
0x1d5: {  	[sflag:s8] =	ssyncadd.s32 $0xFFFFF9C0  }
0x1d6: {  	_ =	swait.ge [sflag:s8], $0x640  }
0x1d7: {  	[sflag:s8] =	ssyncset.done $0x0  }
0x1d8: {  	[sflag:s8] =	ssyncadd.s32 $0xFFFFF9C0  }
0x1d9: {  	_ =	swait.ge [sflag:s8], $0x640  }
0x1da: {  	[sflag:s8] =	ssyncset.done $0x0  }
0x1db: {  	[sflag:s8] =	ssyncadd.s32 $0xFFFFF9C0  }
0x1dc: {  	_ =	swait.ge [sflag:s8], $0x640  }
0x1dd: {  	[sflag:s8] =	ssyncset.done $0x0  }
0x1de: {  	[sflag:s8] =	ssyncadd.s32 $0xFFFFF9C0  }
0x1df: {  	_ =	swait.ge [sflag:s8], $0x640  }
0x1e0: {  	[sflag:s8] =	ssyncset.done $0x0  }
0x1e1: {  	[sflag:s8] =	ssyncadd.s32 $0xFFFFF9C0  }
0x1e2: {  	_ =	swait.ge [sflag:s8], $0x640  }
0x1e3: {  	[sflag:s8] =	ssyncset.done $0x0  }
0x1e4: {  	[sflag:s8] =	ssyncadd.s32 $0xFFFFF9C0  }
0x1e5: {  	_ =	swait.ge [sflag:s8], $0x640  }
0x1e6: {  	[sflag:s8] =	ssyncset.done $0x0  }
0x1e7: {  	[sflag:s8] =	ssyncadd.s32 $0xFFFFF9C0  }
0x1e8: {  	_ =	swait.ge [sflag:s8], $0x640  }
0x1e9: {  	s1 =	sld [smem:$0x7D9]  }
0x1ea: {  	s0 =	sld [smem:$0x7F6];
	_ =	sdelay $0x1  }
0x1eb: {  	s1 =	sadd.s32 $0x1, s1  }
0x1ec: {  	p0 =	sne.s32 s1, s0  }
.Ltmp1:
0x1ed: {  	_ = 	snop;
	(pc) =	sbr.rel @p0 .LBB2_1-.Ltmp1, $3  }
0x1ee: {  	_ =	sdelay $0x1  }
0x1ef: {  	[sflag:s8] =	ssyncset.done $0x0  }
0x1f0: {  	[sflag:s8] =	ssyncadd.s32 $0xFFFFF9C0  }
0x1f1: {  	_ =	sfence.sel $0x180000  }
0x1f2: {  	[bflag:$0x0] =	sbarrier.arrive $0xFFFF  }
0x1f3: {  	_ =	strace $0x90000047  }
0x1f4: {  	s0 =	stileid.u32;
	[bflag:$0x2] =	sbarrier.arrive $0xFFFF  }
0x1f5: {  	p0 =	sne.s32 s0, $0x0;
	s0 =	rddreg [dreg:$0x2]  }
0x1f6: {  	s0 =	sadd.s32 @!p0 $0x100000, s0  }
0x1f7: {  	[sflag:s0] =	ssyncadd.tile.s32 @!p0 $0x1;
	_ =	shalt  }
.Lfunc_end2:
_tile_overlayer_lowered:
.L_overlay_start_2:
0x1f8: {  	(tag) =	ssettag $0x2  }
0x1f9: {  	s0 =	rddreg [dreg:$0x0];
	s2 =	stileid.u32  }
0x1fa: {  	s1 =	rddreg [dreg:$0x1];
	p0 =	sne.s32 s2, $0x0  }
0x1fb: {  	s3 =	rddreg [dreg:$0x2];
	[bflag:$0x3] =	sbarrier.arrive $0xFFFF;
	s2 =	simm.s32 @!p0 $0x1C03  }
0x1fc: {  	[timem:s3], [sflag:s2] =	dma.local @!p0 [hbm:s0], s1  }
0x1fd: {  	s0 =	simm.s32 @!p0 $0x3  }
0x1fe: {  	_ =	swait.ge @!p0 [sflag:s0], s1  }
0x1ff: {  	s1 =	ssub.s32 @!p0 $0x0, s1;
	[sflag:s0] =	ssyncset.done @!p0 $0x0  }
0x200: {  	[sflag:s0] =	ssyncadd.s32 @!p0 s1  }
0x201: {  	[bflag:$0x3] =	sbarrier.arrive $0xFFFF  }
0x202: {  	_ =	shalt  }

// kernel: sparse-core-data-format-call.cloned.1.call-start
scs
called_computation_lowered:
.L_overlay_start_0:
0x0: {  	s2 =	sld [smem:$0x3FD9]  }
0x1: {  	s3 =	sld [smem:$0x3FFE];
	_ =	sdelay $0x1  }
0x2: {  	s1 =	srdreg.scid  }
0x3: {  	s0 =	sand.u32 $0x1, s1  }
0x4: {  	s18 =	sshll.u32 s0, $0xA;
	s2 =	sadd.s32 s3, s2  }
0x5: {  	s2 =	sadd.s32 s2, s18  }
0x6: {  	[smem:$0x3FC6] =	sst s2  }
0x7: {  	_ = 	snop  }
0x8: {  	s2 =	sld [smem:$0x3FD0];
	(tm) =	ssettm $0x1  }
0x9: {  	s19 =	sld [smem:$0x3FFB];
	_ =	sdelay $0x3  }
0xa: {  	_ =	strace s19  }
0xb: {  	s3 =	sld [smem:$0x3FFC];
	_ =	sdelay $0x3  }
0xc: {  	_ =	strace s3  }
0xd: {  	s3 =	sld [smem:$0x3FFD];
	_ =	sdelay $0x3  }
0xe: {  	_ =	strace s3  }
0xf: {  	_ =	strace $0x8FFFFFFF  }
0x10: {  	s20 =	sld [smem:$0x3FDB];
	_ =	sdelay $0x1  }
0x11: {  	s4 =	simm.s32 $_scs_section_size  }
0x12: {  	s5 =	simm.s32 $_size__tile_overlayer_lowered;
	s6 =	simm.s32 $_tile_overlayer_lowered  }
0x13: {  	s23 =	simm.s32 $0x1BFF;
	s22 =	sshll.u32 s6, $0x1;
	s3 =	sadd.s32 s4, s20  }
0x14: {  	s7 =	simm.s32 $0x0;
	s21 =	sshll.u32 s5, $0x1;
	s5 =	sadd.s32 s22, s3  }
0x15: {  	[timem:s7], [sflag:s23] =	dma.local [hbm:s5], s21  }
0x16: {  	_ =	swait.ge [sflag:s23], s21  }
0x17: {  	s4 =	ssub.s32 $0x0, s21;
	[sflag:s23] =	ssyncset.done $0x0  }
0x18: {  	[sflag:s23] =	ssyncadd.s32 s4;
	_ =	sdelay $0x1  }
0x19: {  	s24 =	simm.s32 $0x1B8B  }
0x1a: {  	_ =	swait.ge [sflag:s24], $0x1  }
0x1b: {  	[sflag:s24] =	ssyncset.done $0x0  }
0x1c: {  	s26 =	simm.s32 $0x1B8E;
	s25 =	sld [smem:$0x3FFE];
	[sflag:s24] =	ssyncadd.s32 $0xFFFFFFFF  }
0x1d: {  	s27 =	simm.s32 $execute0_lowered;
	[smem:$0x3FD2] =	sst s26  }
0x1e: {  	s5 =	sshll.u32 s27, $0x1;
	_ =	strace $0x80000049;
	[dreg:$0x1] =	wrdreg $0xFFFFFFFF  }
0x1f: {  	s28 =	simm.s32 $_size_execute0_lowered;
	s3 =	sadd.s32 s3, s5;
	[dreg:$0x0] =	wrdreg $0x0  }
0x20: {  	s5 =	sshll.u32 s28, $0x1;
	[dreg:$0x2] =	wrdreg s3  }
0x21: {  	[dreg:$0x3] =	wrdreg s5  }
0x22: {  	[dreg:$0x4] =	wrdreg $0xC0  }
0x23: {  	_ =	task [dreg:s7], $0x5FFFF  }
0x24: {  	[dreg:$0x1] =	wrdreg $0xFFFFFFFF  }
0x25: {  	[dreg:$0x0] =	wrdreg $0x60  }
0x26: {  	[dreg:$0x2] =	wrdreg s25  }
0x27: {  	[dreg:$0x3] =	wrdreg s2  }
0x28: {  	[dreg:$0x4] =	wrdreg $0x9  }
0x29: {  	_ =	task.clear_ibuf [dreg:s7], $0x5FFFF;
	_ =	strace $0x90000049  }
0x2a: {  	s29 =	simm.s32 $0x9;
	_ =	strace $0x8000004B  }
0x2b: {  	_ =	swait.ge [sflag:s29], $0x1  }
0x2c: {  	[sflag:s29] =	ssyncadd.s32 $0xFFFFFFFF  }
0x2d: {  	_ =	strace $0x9000004B  }
0x2e: {  	_ =	sfence  }
0x2f: {  	s30 =	sld [smem:$0x0];
	_ =	sdelay $0x2  }
0x30: {  	s31 =	sshll.u32 s1, $0xD;
	s1 =	sshrl.u32 s1, $0x2  }
0x31: {  	s3 =	sand.u32 $0x4000, s31;
	s1 =	sadd.s32 s1, s30  }
0x32: {  	s0 =	sor.u32 s3, s0;
	s1 =	sshll.u32 s1, $0x11  }
0x33: {  	s0 =	sor.u32 s1, s0  }
0x34: {  	s0 =	sadd.s32 $0x8F2B, s0  }
0x35: {  	[sflag:s0] =	ssyncadd.remote.s32 $0x1  }
0x36: {  	_ =	sfence.sel $0xFFFF  }
0x37: {  	[dreg:$0x0] =	wrdreg $0xFFFFFFFF;
	(pc) =	sbr.abs _section_cstart, $3  }
0x38: {  	[dreg:$0x1] =	wrdreg $0xFFFFFFFF  }
0x39: {  	_ =	task.clear_ibuf [dreg:s7], $0x2FFFF;
	_ =	strace $0x9FFFFFFF  }
0x3a: {  	(tm) =	ssettm $0x7FFFFFFF  }
0x3b: {  	_ =	shalt  }
tec
execute0_lowered:
.L_overlay_start_1:
0x0: {  	(tag) =	ssettag $0x1  }
0x1: {  	s0 =	srdreg.scid  }
0x2: {  	s1 =	sshll.u32 s0, $0x4  }
0x3: {  	s0 =	stileid.u32;
	s1 =	sand.u32 $0x10, s1  }
0x4: {  	s1 =	sor.u32 s0, s1  }
0x5: {  	s6 =	rddreg [dreg:$0x0];
	s4 =	simm.s32 $0x1;
	s2 =	sshll.u32 s1, $0x7  }
0x6: {  	s7 =	simm.s32 $0x2;
	s12 =	simm.s32 $0x0;
	s1 =	ssub.s32 $0x4000, s2  }
0x7: {  	s8 =	simm.s32 $0x20000;
	s13 =	simm.s32 $0x0;
	s3 =	sand.u32 $0xF80, s1  }
0x8: {  	s9 =	simm.s32 $0x0;
	s5 =	sshrl.u32 s1, $0xC;
	p0 =	sne.s32 s3, $0x0  }
.Ltmp0:
0x9: {  	s1 =	rddreg [dreg:$0x2];
	s4 =	simm.s32 @!p0 $0x0;
	(pc) =	sbr.rel .LBB1_1-.Ltmp0, $4  }
0xa: {  	s11 =	simm.s32 $0x0;
	s3 =	rddreg [dreg:$0x1];
	s5 =	sadd.s32 s4, s5  }
0xb: {  	_ =	strace $0x8000004A;
	s4 =	simm.s32 $0x1;
	s5 =	smul.u32 $0x32, s5  }
0xc: {  	s6 =	sadd.s32 $0x1800, s6;
	s10 =	smov.u32 s2;
	[sflag:s4] =	ssyncpa.u1 $0x0  }
0xd: {  	p0 =	por $0x0, $0x0;
	[sflag:s7] =	ssyncpa.u1 $0x0;
	s7 =	sor.u32 $0x1, s5  }
.LBB1_4:
0xe: {  	s16 =	sshll.u32 s13, $0x3;
	s17 =	sand.u32 $0x78, s13  }
0xf: {  	s30 =	sand.u32 $0xF800, s13;
	s12 =	sshll.u32 s12, $0x10;
	s16 =	sand.u32 $0x3C00, s16  }
0x10: {  	s31 =	sand.u32 $0x7, s13;
	s16 =	sor.u32 s17, s16;
	s17 =	sadd.s32 s3, s30  }
0x11: {  	s13 =	sshll.u32 s31, $0x12;
	s16 =	sshrl.u32 s16, $0x3;
	s12 =	sadd.s32 s12, s17  }
0x12: {  	[tilespmem:s15+$0x0 ss:$0x81] =	vst.msk $0xffff, v0;
	s13 =	sor.u32 $0x400, s13;
	s12 =	sadd.s32 s16, s12  }
0x13: {  	[hbm4b:s12+s13] =	stream.strided.scatter [tilespmem:s14], [sflag:$0x2], $0x1000, s8, s13, $0x20;
	[tilespmem:$0x4040] =	vst v63  }
.LBB1_5:
0x14: {  	s14 =	sadd.s32 $0x1, s9  }
0x15: {  	s12 =	sadd.s32 $0x1000, s10;
	s16 =	smov.u32 s10;
	p2 =	sgt.s32 s14, $0x31  }
0x16: {  	s16 =	smov.u32 @p2 s12  }
0x17: {  	s14 =	simm.s32 @p2 $0x0;
	p2 =	sgt.s32 s16, $0x3FFF  }
0x18: {  	s16 =	smov.u32 @p2 s2;
	p2 =	sne.s32 s11, s7  }
.Ltmp1:
0x19: {  	p1 =	slt.u32 s11, $0x2;
	(pc) =	sbr.rel @!p2 .LBB1_6-.Ltmp1, $4  }
0x1a: {  	s15 =	simm.s32 @!p1 $0x2  }
0x1b: {  	s13 =	smov.u32 s10;
	p0 =	por !p0, !p0;
	_ =	swait.ge @!p1 [sflag:s15], $0x1000  }
0x1c: {  	s12 =	smov.u32 s9;
	[sflag:s15] =	ssyncset.done @!p1 $0x0;
	s9 =	smov.u32 s14  }
0x1d: {  	s11 =	sadd.s32 $0x1, s11;
	[sflag:s15] =	ssyncadd.s32 @!p1 $0xFFFFF000;
	s10 =	smov.u32 s16  }
.LBB1_1:
0x1e: {  	p1 =	sge.u32 s11, s5  }
0x1f: {  	s14 =	sand.u32 @!p1 $0x1FFFFFF, s9  }
0x20: {  	s15 =	smulhi.u32 @!p1 $0x4924925, s14;
	_ =	sdelay $0x1  }
0x21: {  	s15 =	smul.u32 @!p1 $0x38, s15  }
0x22: {  	s16 =	sxor.u32 @!p1 $0xFFFFFFFF, s11;
	s17 =	smul.u32 @!p1 $0x380, s10  }
0x23: {  	s31 =	sadd.s32 $0xFFFFFFFF, s11;
	s16 =	sshll.u32 @!p1 s16, $0xC;
	s14 =	ssub.s32 @!p1 s14, s15  }
0x24: {  	s15 =	sand.u32 @!p1 $0x1000, s16;
	s16 =	sadd.s32 @!p1 s6, s17;
	s14 =	sshll.u32 @!p1 s14, $0x4  }
0x25: {  	s17 =	simm.s32 @!p1 $0x1C00;
	s14 =	sadd.s32 @!p1 s14, s16;
	s16 =	simm.s32 @!p1 $0x20  }
0x26: {  	[tilespmem:s15], [sflag:$0x1] =	stream.strided.gather @!p1 [hbm4b:s14+s16], $0x1000, s17, s16, $0x38;
	[tilespmem:$0x4040] =	vst v63  }
0x27: {  	p1 =	sge.u32 s31, s5  }
.Ltmp2:
0x28: {  	_ = 	snop;
	(pc) =	sbr.rel @p1 .LBB1_5-.Ltmp2, $1  }
0x29: {  	_ =	sdelay $0x3  }
0x2a: {  	s14 =	simm.s32 $0x1  }
0x2b: {  	_ =	swait.ge [sflag:s4], $0x1000;
	s14 =	simm.s32 @!p0 $0x0  }
0x2c: {  	[sflag:s4] =	ssyncset.done $0x0;
	s15 =	sshll.u32 s14, $0xC  }
0x2d: {  	[sflag:s4] =	ssyncadd.s32 $0xFFFFF000;
	s18 =	sor.u32 $0x10, s15  }
0x2e: {  	s14 =	smul.u32 $0x4080, s14;
	v1 =	vld [tilespmem:s18+$0x0]  }
0x2f: {  	s30 =	sand.u32 $0x1, s11;
	v0 =	vld [tilespmem:s18+$0xFFFFFFF0]  }
0x30: {  	s15 =	smul.u32 $0x4080, s30;
	s14 =	sshrl.u32 s14, $0x2  }
0x31: {  	s16 =	sor.u32 $0x2000, s14  }
0x32: {  	s31 =	sshrl.u32 s15, $0x2;
	s15 =	sadd.s32 $0x0, s16  }
0x33: {  	s17 =	simm.s32 $0x4;
	s18 =	sadd.s32 $0x20, s18;
	s14 =	sor.u32 $0x2000, s31;
	[tilespmem:s15+$0x810 ss:$0x81] =	vst.msk $0xffff, v1  }
.LBB1_3:
0x34: {  	v1 =	vld [tilespmem:s18+$0x0];
	p1 =	sne.s32 s17, $0x1FC;
	[tilespmem:s15+$0x0 ss:$0x81] =	vst.msk $0xffff, v0;
	s15 =	smov.u32 s17;
	s17 =	sadd.s32 $0x4, s17  }
.Ltmp3:
0x35: {  	v0 =	vld [tilespmem:s18+$0xFFFFFFF0];
	(pc) =	sbr.rel @p1 .LBB1_3-.Ltmp3, $4  }
0x36: {  	_ = 	snop  }
0x37: {  	s15 =	sshra.s32 s15, $0x2  }
0x38: {  	s15 =	sadd.s32 s15, s16  }
0x39: {  	s18 =	sadd.s32 $0x20, s18;
	[tilespmem:s15+$0x810 ss:$0x81] =	vst.msk $0xffff, v1  }
.Ltmp4:
0x3a: {  	_ = 	snop;
	(pc) =	sbr.rel .LBB1_4-.Ltmp4, $1  }
0x3b: {  	_ =	sdelay $0x3  }
.LBB1_6:
0x3c: {  	_ =	sfence.sel $0x180000  }
0x3d: {  	s2 =	simm.s32 $0x1;
	[bflag:$0x0] =	sbarrier.arrive $0xFFFF  }
0x3e: {  	s31 =	simm.s32 $0x2;
	[sflag:s2] =	ssyncpa.u1 $0x1  }
0x3f: {  	[sflag:s31] =	ssyncpa.u1 $0x1  }
0x40: {  	p0 =	sne.s32 s0, $0x0;
	_ =	strace $0x9000004A  }
0x41: {  	s0 =	sadd.s32 @!p0 $0x100000, s1;
	[bflag:$0x2] =	sbarrier.arrive $0xFFFF  }
0x42: {  	[sflag:s0] =	ssyncadd.tile.s32 @!p0 $0x1;
	_ =	shalt  }
.Lfunc_end1:
_tile_overlayer_lowered:
.L_overlay_start_2:
0x43: {  	(tag) =	ssettag $0x2  }
0x44: {  	s0 =	rddreg [dreg:$0x0];
	s2 =	stileid.u32  }
0x45: {  	s1 =	rddreg [dreg:$0x1];
	p0 =	sne.s32 s2, $0x0  }
0x46: {  	s3 =	rddreg [dreg:$0x2];
	[bflag:$0x3] =	sbarrier.arrive $0xFFFF;
	s2 =	simm.s32 @!p0 $0x1C01  }
0x47: {  	[timem:s3], [sflag:s2] =	dma.local @!p0 [hbm:s0], s1  }
0x48: {  	s0 =	simm.s32 @!p0 $0x1  }
0x49: {  	_ =	swait.ge @!p0 [sflag:s0], s1  }
0x4a: {  	s1 =	ssub.s32 @!p0 $0x0, s1;
	[sflag:s0] =	ssyncset.done @!p0 $0x0  }
0x4b: {  	[sflag:s0] =	ssyncadd.s32 @!p0 s1  }
0x4c: {  	[bflag:$0x3] =	sbarrier.arrive $0xFFFF  }
0x4d: {  	_ =	shalt  }

</sc_bundles>
